<compile_context>
chip_gen: v7x
topology: tpu7x:2x2x1
jax: 0.10.2.dev20260603
libtpu: 0.0.44.dev20260713+nightly
codegen_flags: <defaults>
</compile_context>

<pallas_src>
import functools

import jax
import jax.numpy as jnp
from jax import lax
from jax.experimental import pallas as pl
from jax.experimental.pallas import tpu as pltpu
from jax.experimental.pallas import tpu_sc as plsc

N_NODES = 10000
N_EDGES = 320000
D_NODE = 128
D_EDGE = 16
D_HID = 128

NW = 32
TE = N_EDGES // NW
CHUNK = 2000
NSTREAM = 16
ROWW = 125
W = 32
NPT = 624


def _sc_body(dst_hbm, log_hbm, feats_hbm, onehot_hbm, acc_hbm, dst_v, log_v,
             feats_v, rows_v, onehot_v, acc_s):
    c = lax.axis_index("c")
    s = lax.axis_index("s")
    w = c * 16 + s

    z16 = jnp.zeros((16,), jnp.float32)
    pltpu.sync_copy(onehot_hbm, onehot_v)
    onehot = onehot_v[pl.ds(0, 16)]

    def _zero(i, _):
        rows_v[i, pl.ds(0, 16)] = z16
        rows_v[i, pl.ds(16, 16)] = z16
        return 0

    lax.fori_loop(0, CHUNK, _zero, 0)

    pltpu.sync_copy(rows_v.at[pl.ds(0, NPT)], acc_s.at[pl.ds(s * NPT, NPT)])

    @pl.when(s == 15)
    def _zero_tail():
        pltpu.sync_copy(rows_v.at[pl.ds(0, 16)],
                        acc_s.at[pl.ds(16 * NPT, N_NODES - 16 * NPT)])

    plsc.subcore_barrier()

    def _chunk(k, _):
        rb = w * (TE // ROWW) + k * NSTREAM
        eb = w * TE + k * CHUNK
        pltpu.sync_copy(dst_hbm.at[pl.ds(rb, NSTREAM)], dst_v)
        pltpu.sync_copy(log_hbm.at[pl.ds(eb, CHUNK)], log_v)
        pltpu.sync_copy(feats_hbm.at[pl.ds(eb, CHUNK)], feats_v)

        def _group(j, _):
            e0 = j * 16
            ex16 = jnp.exp(log_v[pl.ds(e0, 16)])
            for k in range(16):
                e = e0 + k
                b = jnp.broadcast_to(ex16[k], (16,))
                f = feats_v[e, pl.ds(0, D_EDGE)]
                rows_v[e, pl.ds(0, D_EDGE)] = f * b
                rows_v[e, pl.ds(D_EDGE, 16)] = b * onehot
            return 0

        lax.fori_loop(0, CHUNK // 16, _group, 0)

        for t in range(NSTREAM):
            pltpu.sync_copy(rows_v.at[pl.ds(t * ROWW, ROWW)],
                            acc_s.at[dst_v.at[t]], add=True)
        return 0

    lax.fori_loop(0, TE // CHUNK, _chunk, 0)
    plsc.subcore_barrier()

    pltpu.sync_copy(acc_s.at[pl.ds(s * NPT, NPT)],
                    acc_hbm.at[pl.ds(c * N_NODES + s * NPT, NPT)])

    @pl.when(s == 15)
    def _pub_tail():
        pltpu.sync_copy(
            acc_s.at[pl.ds(16 * NPT, N_NODES - 16 * NPT)],
            acc_hbm.at[pl.ds(c * N_NODES + 16 * NPT, N_NODES - 16 * NPT)])


@functools.cache
def _sc_scatter():
    return functools.partial(
        pl.kernel,
        mesh=plsc.VectorSubcoreMesh(core_axis_name="c", subcore_axis_name="s"),
        compiler_params=pltpu.CompilerParams(use_tc_tiling_on_sc=False),
        out_type=jax.ShapeDtypeStruct((2 * N_NODES, W), jnp.float32),
        scratch_types=[
            pltpu.VMEM((NSTREAM, ROWW), jnp.int32),
            pltpu.VMEM((CHUNK,), jnp.float32),
            pltpu.VMEM((CHUNK, D_EDGE), jnp.float32),
            pltpu.VMEM((CHUNK, W), jnp.float32),
            pltpu.VMEM((16,), jnp.float32),
            pltpu.VMEM_SHARED((N_NODES, W), jnp.float32),
        ],
    )(_sc_body)


def _tc_body(acc0, acc1, nf, wet, be, wih, whh, bih, bhh, out):
    u = acc0[...] + acc1[...]
    denom = u[:, D_EDGE:D_EDGE + 1]
    nonempty = denom > 0.0
    mask = nonempty.astype(jnp.float32)
    inv = mask / jnp.where(nonempty, denom, 1.0)
    sfeat = u[:, :D_EDGE] * inv
    cc = (jnp.dot(sfeat, wet[...], preferred_element_type=jnp.float32)
          + mask * be[...])
    ctx = jnp.where(cc > 0.0, cc, jnp.exp(cc) - 1.0)
    gi = jnp.dot(ctx, wih[...], preferred_element_type=jnp.float32) + bih[...]
    gh = (jnp.dot(nf[...], whh[...], preferred_element_type=jnp.float32)
          + bhh[...])
    r = jax.nn.sigmoid(gi[:, :D_NODE] + gh[:, :D_NODE])
    z = jax.nn.sigmoid(gi[:, D_NODE:2 * D_NODE] + gh[:, D_NODE:2 * D_NODE])
    n = jnp.tanh(gi[:, 2 * D_NODE:] + r * gh[:, 2 * D_NODE:])
    h = (1.0 - z) * n + z * nf[...]
    out[...] = jnp.maximum(h, 0.0)


_BN = 1000


def _tc_gru(acc2, node_feats, wet, be, wih, whh, bih, bhh):
    grid = N_NODES // _BN
    return pl.pallas_call(
        _tc_body,
        grid=(grid,),
        in_specs=[
            pl.BlockSpec((_BN, W), lambda i: (i, 0)),
            pl.BlockSpec((_BN, W), lambda i: (i + grid, 0)),
            pl.BlockSpec((_BN, D_NODE), lambda i: (i, 0)),
            pl.BlockSpec((D_EDGE, D_HID), lambda i: (0, 0)),
            pl.BlockSpec((1, D_HID), lambda i: (0, 0)),
            pl.BlockSpec((D_HID, 3 * D_NODE), lambda i: (0, 0)),
            pl.BlockSpec((D_NODE, 3 * D_NODE), lambda i: (0, 0)),
            pl.BlockSpec((1, 3 * D_NODE), lambda i: (0, 0)),
            pl.BlockSpec((1, 3 * D_NODE), lambda i: (0, 0)),
        ],
        out_specs=pl.BlockSpec((_BN, D_NODE), lambda i: (i, 0)),
        out_shape=jax.ShapeDtypeStruct((N_NODES, D_NODE), jnp.float32),
    )(acc2, acc2, node_feats, wet, be, wih, whh, bih, bhh)


def kernel(edge_logits, edge_feats, node_feats, edge_index, W_e, b_e,
           w_ih, w_hh, b_ih, b_hh):
    dst2 = edge_index[1].reshape(N_EDGES // ROWW, ROWW)
    logits = edge_logits.reshape(N_EDGES)
    onehot = jnp.concatenate(
        [jnp.ones((1,), jnp.float32), jnp.zeros((15,), jnp.float32)])
    acc2 = _sc_scatter()(dst2, logits, edge_feats, onehot)
    return _tc_gru(
        acc2, node_feats, W_e.T, b_e.reshape(1, D_HID), w_ih.T, w_hh.T,
        b_ih.reshape(1, 3 * D_NODE), b_hh.reshape(1, 3 * D_NODE))

# --- scband reference (transcript-rebuilt; emitter-appended) ---
"""Pipeline reference for scband-attentive-gru1-11287174053941 (READ-ONLY COPY).

The authoritative reference and input builder live on the scoring server;
editing this copy changes nothing except your own understanding.
"""

import jax, jax.numpy as jnp
import numpy as np

N_NODES = 10000
N_EDGES = 320000
D_NODE = 128
D_EDGE = 16
D_HID = 128


def setup_inputs(seed: int = 0) -> dict:
    key = jax.random.key(seed)
    ks = jax.random.split(key, 12)
    edge_index = jax.random.randint(ks[0], (2, N_EDGES), 0, N_NODES, dtype=jnp.int32)
    edge_logits = jax.random.normal(ks[1], (N_EDGES, 1), dtype=jnp.float32)
    edge_feats = jax.random.normal(ks[2], (N_EDGES, D_EDGE), dtype=jnp.float32)
    node_feats = jax.random.normal(ks[3], (N_NODES, D_NODE), dtype=jnp.float32)
    # edge_transform Linear(edge_feat_size -> edge_hidden_size); dropout p=0.0 (identity)
    W_e = jax.random.normal(ks[4], (D_HID, D_EDGE), dtype=jnp.float32) / np.sqrt(D_EDGE)
    b_e = jnp.zeros((D_HID,), dtype=jnp.float32)
    # GRUCell(input=edge_hidden_size, hidden=node_feat_size)
    s = 1.0 / np.sqrt(D_NODE)
    w_ih = jax.random.uniform(ks[5], (3 * D_NODE, D_HID), minval=-s, maxval=s, dtype=jnp.float32)
    w_hh = jax.random.uniform(ks[6], (3 * D_NODE, D_NODE), minval=-s, maxval=s, dtype=jnp.float32)
    b_ih = jax.random.uniform(ks[7], (3 * D_NODE,), minval=-s, maxval=s, dtype=jnp.float32)
    b_hh = jax.random.uniform(ks[8], (3 * D_NODE,), minval=-s, maxval=s, dtype=jnp.float32)
    return {"edge_logits": edge_logits, "edge_feats": edge_feats, "node_feats": node_feats,
            "edge_index": edge_index, "W_e": W_e, "b_e": b_e,
            "w_ih": w_ih, "w_hh": w_hh, "b_ih": b_ih, "b_hh": b_hh}


def reference(edge_logits, edge_feats, node_feats, edge_index, W_e, b_e, w_ih, w_hh, b_ih, b_hh):
    dst = edge_index[1]
    # edge_softmax over incoming edges of each destination node
    m = jax.ops.segment_max(edge_logits, dst, num_segments=N_NODES)  # [N, 1]
    ex = jnp.exp(edge_logits - m[dst])
    denom = jax.ops.segment_sum(ex, dst, num_segments=N_NODES)  # [N, 1]
    alpha = ex / denom[dst]  # [E, 1]
    # edge transform (dropout p=0.0 -> identity) then weight
    e = alpha * (edge_feats @ W_e.T + b_e)  # [E, D_HID]
    # message passing: copy_e + sum by destination node
    c = jax.ops.segment_sum(e, dst, num_segments=N_NODES)  # [N, D_HID]
    context = jax.nn.elu(c)
    # GRUCell(context, node_feats)
    gi = context @ w_ih.T + b_ih
    gh = node_feats @ w_hh.T + b_hh
    i_r, i_z, i_n = jnp.split(gi, 3, axis=1)
    h_r, h_z, h_n = jnp.split(gh, 3, axis=1)
    r = jax.nn.sigmoid(i_r + h_r)
    z = jax.nn.sigmoid(i_z + h_z)
    n = jnp.tanh(i_n + r * h_n)
    h_new = (1.0 - z) * n + z * node_feats
    return jax.nn.relu(h_new)

if __name__ == "__main__":
    import jax
    _d = setup_inputs()
    print(jax.jit(kernel)(*tuple(_d.values())))

</pallas_src>

<mosaic_0001>
#map = affine_map<(d0, d1) -> (0, 0)>
#map1 = affine_map<(d0, d1) -> (0)>
module attributes {stable_mosaic.version = 14 : i64} {
  func.func @_sc_body(%arg0: i32, %arg1: i32, %arg2: memref<2560x125xi32, #tpu.memory_space<hbm>>, %arg3: memref<320000xf32, #tpu.memory_space<hbm>>, %arg4: memref<320000x16xf32, #tpu.memory_space<hbm>>, %arg5: memref<16xf32, #tpu.memory_space<hbm>>, %arg6: memref<20000x32xf32, #tpu.memory_space<hbm>>, %arg7: memref<16x125xi32, #tpu.memory_space<vmem>>, %arg8: memref<2000xf32, #tpu.memory_space<vmem>>, %arg9: memref<2000x16xf32, #tpu.memory_space<vmem>>, %arg10: memref<2000x32xf32, #tpu.memory_space<vmem>>, %arg11: memref<16xf32, #tpu.memory_space<vmem>>, %arg12: memref<10000x32xf32, #tpu.memory_space<vmem_shared>>) attributes {dimension_semantics = [#tpu.dimension_semantics<core_parallel>, #tpu.dimension_semantics<subcore_parallel>], iteration_bounds = array<i64: 2, 16>, scalar_prefetch = 0 : i64, scratch_operands = 6 : i64, tpu.core_type = #tpu.core_type<sc_vector_subcore>, window_params = [{transform_indices = #map}, {transform_indices = #map1}, {transform_indices = #map}, {transform_indices = #map1}, {transform_indices = #map}]} {
    %mul3A = arith.constant 16 : i32
    %mul3A_0 = arith.muli %arg0, %mul3A : i32
    %add3A = arith.addi %mul3A_0, %arg1 : i32
    %broadcast_in_dim3A = arith.constant 0.000000e+00 : f32
    %broadcast_in_dim3A_1 = vector.broadcast %broadcast_in_dim3A : f32 to vector<16xf32>
    "tpu.region"() ({
      %run_scoped3A = tpu.sem_alloc : memref<!tpu.dma_semaphore, #tpu.memory_space<semaphore_mem>>
      tpu.enqueue_dma source(%arg5 : memref<16xf32, #tpu.memory_space<hbm>>) target(%arg11 : memref<16xf32, #tpu.memory_space<vmem>>) target_semaphore(%run_scoped3A : memref<!tpu.dma_semaphore, #tpu.memory_space<semaphore_mem>>)
      tpu.wait_dma2 semaphore(%run_scoped3A : memref<!tpu.dma_semaphore, #tpu.memory_space<semaphore_mem>>) src(%arg5 : memref<16xf32, #tpu.memory_space<hbm>>) dst(%arg11 : memref<16xf32, #tpu.memory_space<vmem>>)
      tpu.yield
    }) : () -> ()
    %get3A = arith.constant 0 : index
    %get3A_2 = tpu.vector_load %arg11[%get3A] {strides = array<i32>} : memref<16xf32, #tpu.memory_space<vmem>>, vector<16xf32>,
    %get3A_3 = vector.shape_cast %get3A_2 : vector<16xf32> to vector<16xf32>
    %scan3A = arith.constant 0 : i32
    %scan3A_4 = arith.constant 0 : i32
    %scan3A_5 = arith.constant 2000 : i32
    %scan3A_6 = arith.addi %scan3A_4, %scan3A_5 : i32
    %scan3A_7 = arith.constant 1 : i32
    %scan3A_8 = scf.for %scan3A_34 = %scan3A_4 to %scan3A_6 step %scan3A_7 iter_args(%scan3A_35 = %scan3A) -> (i32)  : i32 {
      %swap3A = arith.index_cast %scan3A_34 : i32 to index
      %swap3A_36 = arith.constant 0 : index
      %swap3A_37 = tpu.vector_load %arg10[%swap3A, %swap3A_36] {strides = array<i32>} : memref<2000x32xf32, #tpu.memory_space<vmem>>, vector<1x16xf32>,
      %swap3A_38 = vector.shape_cast %swap3A_37 : vector<1x16xf32> to vector<16xf32>
      %swap3A_39 = vector.shape_cast %broadcast_in_dim3A_1 : vector<16xf32> to vector<1x16xf32>
      tpu.vector_store %arg10[%swap3A, %swap3A_36], %swap3A_39 {strides = array<i32>} : memref<2000x32xf32, #tpu.memory_space<vmem>>, vector<1x16xf32>,
      %swap3A_40 = arith.index_cast %scan3A_34 : i32 to index
      %swap3A_41 = arith.constant 16 : index
      %swap3A_42 = tpu.vector_load %arg10[%swap3A_40, %swap3A_41] {strides = array<i32>} : memref<2000x32xf32, #tpu.memory_space<vmem>>, vector<1x16xf32>,
      %swap3A_43 = vector.shape_cast %swap3A_42 : vector<1x16xf32> to vector<16xf32>
      %swap3A_44 = vector.shape_cast %broadcast_in_dim3A_1 : vector<16xf32> to vector<1x16xf32>
      tpu.vector_store %arg10[%swap3A_40, %swap3A_41], %swap3A_44 {strides = array<i32>} : memref<2000x32xf32, #tpu.memory_space<vmem>>, vector<1x16xf32>,
      %scan3A_45 = arith.constant 0 : i32
      scf.yield %scan3A_45 : i32
    }
    %scan3A_9 = arith.constant 2000 : i32
    %mul3A_10 = arith.constant 624 : i32
    %mul3A_11 = arith.muli %arg1, %mul3A_10 : i32
    "tpu.region"() ({
      %run_scoped3A = tpu.sem_alloc : memref<!tpu.dma_semaphore, #tpu.memory_space<semaphore_mem>>
      %dma_start3A = arith.constant 0 : i32
      %dma_start3A_34 = arith.constant 0 : i32
      %dma_start3A_35 = tpu.memref_slice %arg10[%dma_start3A, %dma_start3A_34] : memref<2000x32xf32, #tpu.memory_space<vmem>> -> memref<624x32xf32, #tpu.memory_space<vmem>>
      %dma_start3A_36 = arith.constant 0 : i32
      %dma_start3A_37 = tpu.memref_slice %arg12[%mul3A_11, %dma_start3A_36] : memref<10000x32xf32, #tpu.memory_space<vmem_shared>> -> memref<624x32xf32, #tpu.memory_space<vmem_shared>>
      %dma_start3A_38 = arith.constant 0 : i32
      %dma_start3A_39 = tpu.memref_slice %arg12[%mul3A_11, %dma_start3A_38] : memref<10000x32xf32, #tpu.memory_space<vmem_shared>> -> memref<624x32xf32, #tpu.memory_space<vmem_shared>>
      %dma_start3A_40 = arith.constant 0 : i32
      %dma_start3A_41 = arith.constant 0 : i32
      %dma_start3A_42 = tpu.memref_slice %arg10[%dma_start3A_40, %dma_start3A_41] : memref<2000x32xf32, #tpu.memory_space<vmem>> -> memref<624x32xf32, #tpu.memory_space<vmem>>
      tpu.enqueue_dma source(%dma_start3A_42 : memref<624x32xf32, #tpu.memory_space<vmem>>) target(%dma_start3A_39 : memref<624x32xf32, #tpu.memory_space<vmem_shared>>) target_semaphore(%run_scoped3A : memref<!tpu.dma_semaphore, #tpu.memory_space<semaphore_mem>>)
      %dma_wait3A = arith.constant 0 : i32
      %dma_wait3A_43 = arith.constant 0 : i32
      %dma_wait3A_44 = tpu.memref_slice %arg10[%dma_wait3A, %dma_wait3A_43] : memref<2000x32xf32, #tpu.memory_space<vmem>> -> memref<624x32xf32, #tpu.memory_space<vmem>>
      %dma_wait3A_45 = arith.constant 0 : i32
      %dma_wait3A_46 = tpu.memref_slice %arg12[%mul3A_11, %dma_wait3A_45] : memref<10000x32xf32, #tpu.memory_space<vmem_shared>> -> memref<624x32xf32, #tpu.memory_space<vmem_shared>>
      %dma_wait3A_47 = arith.constant 0 : i32
      %dma_wait3A_48 = tpu.memref_slice %arg12[%mul3A_11, %dma_wait3A_47] : memref<10000x32xf32, #tpu.memory_space<vmem_shared>> -> memref<624x32xf32, #tpu.memory_space<vmem_shared>>
      %dma_wait3A_49 = arith.constant 0 : i32
      %dma_wait3A_50 = arith.constant 0 : i32
      %dma_wait3A_51 = tpu.memref_slice %arg10[%dma_wait3A_49, %dma_wait3A_50] : memref<2000x32xf32, #tpu.memory_space<vmem>> -> memref<624x32xf32, #tpu.memory_space<vmem>>
      tpu.wait_dma2 semaphore(%run_scoped3A : memref<!tpu.dma_semaphore, #tpu.memory_space<semaphore_mem>>) src(%dma_wait3A_51 : memref<624x32xf32, #tpu.memory_space<vmem>>) dst(%dma_wait3A_48 : memref<624x32xf32, #tpu.memory_space<vmem_shared>>)
      tpu.yield
    }) : () -> ()
    %eq3A = arith.constant 15 : i32
    %eq3A_12 = arith.cmpi eq, %arg1, %eq3A : i32
    %convert_element_type3A = arith.extui %eq3A_12 : i1 to i32
    %cond3A = arith.constant 0 : i32
    %cond3A_13 = arith.cmpi ne, %convert_element_type3A, %cond3A : i32
    scf.if %cond3A_13 {
      "tpu.region"() ({
        %run_scoped3A = tpu.sem_alloc : memref<!tpu.dma_semaphore, #tpu.memory_space<semaphore_mem>>
        %dma_start3A = arith.constant 0 : i32
        %dma_start3A_34 = arith.constant 0 : i32
        %dma_start3A_35 = tpu.memref_slice %arg10[%dma_start3A, %dma_start3A_34] : memref<2000x32xf32, #tpu.memory_space<vmem>> -> memref<16x32xf32, #tpu.memory_space<vmem>>
        %dma_start3A_36 = arith.constant 9984 : i32
        %dma_start3A_37 = arith.constant 0 : i32
        %dma_start3A_38 = tpu.memref_slice %arg12[%dma_start3A_36, %dma_start3A_37] : memref<10000x32xf32, #tpu.memory_space<vmem_shared>> -> memref<16x32xf32, #tpu.memory_space<vmem_shared>>
        %dma_start3A_39 = arith.constant 9984 : i32
        %dma_start3A_40 = arith.constant 0 : i32
        %dma_start3A_41 = tpu.memref_slice %arg12[%dma_start3A_39, %dma_start3A_40] : memref<10000x32xf32, #tpu.memory_space<vmem_shared>> -> memref<16x32xf32, #tpu.memory_space<vmem_shared>>
        %dma_start3A_42 = arith.constant 0 : i32
        %dma_start3A_43 = arith.constant 0 : i32
        %dma_start3A_44 = tpu.memref_slice %arg10[%dma_start3A_42, %dma_start3A_43] : memref<2000x32xf32, #tpu.memory_space<vmem>> -> memref<16x32xf32, #tpu.memory_space<vmem>>
        tpu.enqueue_dma source(%dma_start3A_44 : memref<16x32xf32, #tpu.memory_space<vmem>>) target(%dma_start3A_41 : memref<16x32xf32, #tpu.memory_space<vmem_shared>>) target_semaphore(%run_scoped3A : memref<!tpu.dma_semaphore, #tpu.memory_space<semaphore_mem>>)
        %dma_wait3A = arith.constant 0 : i32
        %dma_wait3A_45 = arith.constant 0 : i32
        %dma_wait3A_46 = tpu.memref_slice %arg10[%dma_wait3A, %dma_wait3A_45] : memref<2000x32xf32, #tpu.memory_space<vmem>> -> memref<16x32xf32, #tpu.memory_space<vmem>>
        %dma_wait3A_47 = arith.constant 9984 : i32
        %dma_wait3A_48 = arith.constant 0 : i32
        %dma_wait3A_49 = tpu.memref_slice %arg12[%dma_wait3A_47, %dma_wait3A_48] : memref<10000x32xf32, #tpu.memory_space<vmem_shared>> -> memref<16x32xf32, #tpu.memory_space<vmem_shared>>
        %dma_wait3A_50 = arith.constant 9984 : i32
        %dma_wait3A_51 = arith.constant 0 : i32
        %dma_wait3A_52 = tpu.memref_slice %arg12[%dma_wait3A_50, %dma_wait3A_51] : memref<10000x32xf32, #tpu.memory_space<vmem_shared>> -> memref<16x32xf32, #tpu.memory_space<vmem_shared>>
        %dma_wait3A_53 = arith.constant 0 : i32
        %dma_wait3A_54 = arith.constant 0 : i32
        %dma_wait3A_55 = tpu.memref_slice %arg10[%dma_wait3A_53, %dma_wait3A_54] : memref<2000x32xf32, #tpu.memory_space<vmem>> -> memref<16x32xf32, #tpu.memory_space<vmem>>
        tpu.wait_dma2 semaphore(%run_scoped3A : memref<!tpu.dma_semaphore, #tpu.memory_space<semaphore_mem>>) src(%dma_wait3A_55 : memref<16x32xf32, #tpu.memory_space<vmem>>) dst(%dma_wait3A_52 : memref<16x32xf32, #tpu.memory_space<vmem_shared>>)
        tpu.yield
      }) : () -> ()
    } else {
    }
    %barrier3A = arith.constant 0 : index
    tpu.barrier barrier_id(%barrier3A)
    %scan3A_14 = arith.constant 0 : i32
    %scan3A_15 = arith.constant 0 : i32
    %scan3A_16 = arith.constant 5 : i32
    %scan3A_17 = arith.addi %scan3A_15, %scan3A_16 : i32
    %scan3A_18 = arith.constant 1 : i32
    %scan3A_19 = scf.for %scan3A_34 = %scan3A_15 to %scan3A_17 step %scan3A_18 iter_args(%scan3A_35 = %scan3A_14) -> (i32)  : i32 {
      %mul3A_36 = arith.constant 80 : i32
      %mul3A_37 = arith.muli %add3A, %mul3A_36 : i32
      %mul3A_38 = arith.constant 16 : i32
      %mul3A_39 = arith.muli %scan3A_34, %mul3A_38 : i32
      %add3A_40 = arith.addi %mul3A_37, %mul3A_39 : i32
      %mul3A_41 = arith.constant 10000 : i32
      %mul3A_42 = arith.muli %add3A, %mul3A_41 : i32
      %mul3A_43 = arith.constant 2000 : i32
      %mul3A_44 = arith.muli %scan3A_34, %mul3A_43 : i32
      %add3A_45 = arith.addi %mul3A_42, %mul3A_44 : i32
      "tpu.region"() ({
        %run_scoped3A_69 = tpu.sem_alloc : memref<!tpu.dma_semaphore, #tpu.memory_space<semaphore_mem>>
        %dma_start3A = arith.constant 0 : i32
        %dma_start3A_70 = tpu.memref_slice %arg2[%add3A_40, %dma_start3A] : memref<2560x125xi32, #tpu.memory_space<hbm>> -> memref<16x125xi32, #tpu.memory_space<hbm>>
        %dma_start3A_71 = arith.constant 0 : i32
        %dma_start3A_72 = tpu.memref_slice %arg2[%add3A_40, %dma_start3A_71] : memref<2560x125xi32, #tpu.memory_space<hbm>> -> memref<16x125xi32, #tpu.memory_space<hbm>>
        tpu.enqueue_dma source(%dma_start3A_72 : memref<16x125xi32, #tpu.memory_space<hbm>>) target(%arg7 : memref<16x125xi32, #tpu.memory_space<vmem>>) target_semaphore(%run_scoped3A_69 : memref<!tpu.dma_semaphore, #tpu.memory_space<semaphore_mem>>)
        %dma_wait3A = arith.constant 0 : i32
        %dma_wait3A_73 = tpu.memref_slice %arg2[%add3A_40, %dma_wait3A] : memref<2560x125xi32, #tpu.memory_space<hbm>> -> memref<16x125xi32, #tpu.memory_space<hbm>>
        %dma_wait3A_74 = arith.constant 0 : i32
        %dma_wait3A_75 = tpu.memref_slice %arg2[%add3A_40, %dma_wait3A_74] : memref<2560x125xi32, #tpu.memory_space<hbm>> -> memref<16x125xi32, #tpu.memory_space<hbm>>
        tpu.wait_dma2 semaphore(%run_scoped3A_69 : memref<!tpu.dma_semaphore, #tpu.memory_space<semaphore_mem>>) src(%dma_wait3A_75 : memref<16x125xi32, #tpu.memory_space<hbm>>) dst(%arg7 : memref<16x125xi32, #tpu.memory_space<vmem>>)
        tpu.yield
      }) : () -> ()
      "tpu.region"() ({
        %run_scoped3A_69 = tpu.sem_alloc : memref<!tpu.dma_semaphore, #tpu.memory_space<semaphore_mem>>
        %dma_start3A = tpu.memref_slice %arg3[%add3A_45] : memref<320000xf32, #tpu.memory_space<hbm>> -> memref<2000xf32, #tpu.memory_space<hbm>>
        %dma_start3A_70 = tpu.memref_slice %arg3[%add3A_45] : memref<320000xf32, #tpu.memory_space<hbm>> -> memref<2000xf32, #tpu.memory_space<hbm>>
        tpu.enqueue_dma source(%dma_start3A_70 : memref<2000xf32, #tpu.memory_space<hbm>>) target(%arg8 : memref<2000xf32, #tpu.memory_space<vmem>>) target_semaphore(%run_scoped3A_69 : memref<!tpu.dma_semaphore, #tpu.memory_space<semaphore_mem>>)
        %dma_wait3A = tpu.memref_slice %arg3[%add3A_45] : memref<320000xf32, #tpu.memory_space<hbm>> -> memref<2000xf32, #tpu.memory_space<hbm>>
        %dma_wait3A_71 = tpu.memref_slice %arg3[%add3A_45] : memref<320000xf32, #tpu.memory_space<hbm>> -> memref<2000xf32, #tpu.memory_space<hbm>>
        tpu.wait_dma2 semaphore(%run_scoped3A_69 : memref<!tpu.dma_semaphore, #tpu.memory_space<semaphore_mem>>) src(%dma_wait3A_71 : memref<2000xf32, #tpu.memory_space<hbm>>) dst(%arg8 : memref<2000xf32, #tpu.memory_space<vmem>>)
        tpu.yield
      }) : () -> ()
      "tpu.region"() ({
        %run_scoped3A_69 = tpu.sem_alloc : memref<!tpu.dma_semaphore, #tpu.memory_space<semaphore_mem>>
        %dma_start3A = arith.constant 0 : i32
        %dma_start3A_70 = tpu.memref_slice %arg4[%add3A_45, %dma_start3A] : memref<320000x16xf32, #tpu.memory_space<hbm>> -> memref<2000x16xf32, #tpu.memory_space<hbm>>
        %dma_start3A_71 = arith.constant 0 : i32
        %dma_start3A_72 = tpu.memref_slice %arg4[%add3A_45, %dma_start3A_71] : memref<320000x16xf32, #tpu.memory_space<hbm>> -> memref<2000x16xf32, #tpu.memory_space<hbm>>
        tpu.enqueue_dma source(%dma_start3A_72 : memref<2000x16xf32, #tpu.memory_space<hbm>>) target(%arg9 : memref<2000x16xf32, #tpu.memory_space<vmem>>) target_semaphore(%run_scoped3A_69 : memref<!tpu.dma_semaphore, #tpu.memory_space<semaphore_mem>>)
        %dma_wait3A = arith.constant 0 : i32
        %dma_wait3A_73 = tpu.memref_slice %arg4[%add3A_45, %dma_wait3A] : memref<320000x16xf32, #tpu.memory_space<hbm>> -> memref<2000x16xf32, #tpu.memory_space<hbm>>
        %dma_wait3A_74 = arith.constant 0 : i32
        %dma_wait3A_75 = tpu.memref_slice %arg4[%add3A_45, %dma_wait3A_74] : memref<320000x16xf32, #tpu.memory_space<hbm>> -> memref<2000x16xf32, #tpu.memory_space<hbm>>
        tpu.wait_dma2 semaphore(%run_scoped3A_69 : memref<!tpu.dma_semaphore, #tpu.memory_space<semaphore_mem>>) src(%dma_wait3A_75 : memref<2000x16xf32, #tpu.memory_space<hbm>>) dst(%arg9 : memref<2000x16xf32, #tpu.memory_space<vmem>>)
        tpu.yield
      }) : () -> ()
      %scan3A_46 = arith.constant 0 : i32
      %scan3A_47 = arith.constant 0 : i32
      %scan3A_48 = arith.constant 125 : i32
      %scan3A_49 = arith.addi %scan3A_47, %scan3A_48 : i32
      %scan3A_50 = arith.constant 1 : i32
      %scan3A_51 = scf.for %scan3A_69 = %scan3A_47 to %scan3A_49 step %scan3A_50 iter_args(%scan3A_70 = %scan3A_46) -> (i32)  : i32 {
        %mul3A_71 = arith.constant 16 : i32
        %mul3A_72 = arith.muli %scan3A_69, %mul3A_71 : i32
        %get3A_73 = arith.index_cast %mul3A_72 : i32 to index
        %get3A_74 = tpu.vector_load %arg8[%get3A_73] {strides = array<i32>} : memref<2000xf32, #tpu.memory_space<vmem>>, vector<16xf32>,
        %get3A_75 = vector.shape_cast %get3A_74 : vector<16xf32> to vector<16xf32>
        %exp3A = math.exp %get3A_75 : vector<16xf32>
        %add3A_76 = arith.constant 0 : i32
        %add3A_77 = arith.addi %mul3A_72, %add3A_76 : i32
        %slice3A = vector.extract_strided_slice %exp3A {offsets = [0], sizes = [1], strides = [1]} : vector<16xf32> to vector<1xf32>
        %squeeze3A = vector.extract %slice3A[0] : f32 from vector<1xf32>
        %broadcast_in_dim3A_78 = vector.broadcast %squeeze3A : f32 to vector<16xf32>
        %get3A_79 = arith.index_cast %add3A_77 : i32 to index
        %get3A_80 = arith.constant 0 : index
        %get3A_81 = tpu.vector_load %arg9[%get3A_79, %get3A_80] {strides = array<i32>} : memref<2000x16xf32, #tpu.memory_space<vmem>>, vector<1x16xf32>,
        %get3A_82 = vector.shape_cast %get3A_81 : vector<1x16xf32> to vector<16xf32>
        %mul3A_83 = arith.mulf %get3A_82, %broadcast_in_dim3A_78 : vector<16xf32>
        %swap3A = arith.index_cast %add3A_77 : i32 to index
        %swap3A_84 = arith.constant 0 : index
        %swap3A_85 = tpu.vector_load %arg10[%swap3A, %swap3A_84] {strides = array<i32>} : memref<2000x32xf32, #tpu.memory_space<vmem>>, vector<1x16xf32>,
        %swap3A_86 = vector.shape_cast %swap3A_85 : vector<1x16xf32> to vector<16xf32>
        %swap3A_87 = vector.shape_cast %mul3A_83 : vector<16xf32> to vector<1x16xf32>
        tpu.vector_store %arg10[%swap3A, %swap3A_84], %swap3A_87 {strides = array<i32>} : memref<2000x32xf32, #tpu.memory_space<vmem>>, vector<1x16xf32>,
        %mul3A_88 = arith.mulf %broadcast_in_dim3A_78, %get3A_3 : vector<16xf32>
        %swap3A_89 = arith.index_cast %add3A_77 : i32 to index
        %swap3A_90 = arith.constant 16 : index
        %swap3A_91 = tpu.vector_load %arg10[%swap3A_89, %swap3A_90] {strides = array<i32>} : memref<2000x32xf32, #tpu.memory_space<vmem>>, vector<1x16xf32>,
        %swap3A_92 = vector.shape_cast %swap3A_91 : vector<1x16xf32> to vector<16xf32>
        %swap3A_93 = vector.shape_cast %mul3A_88 : vector<16xf32> to vector<1x16xf32>
        tpu.vector_store %arg10[%swap3A_89, %swap3A_90], %swap3A_93 {strides = array<i32>} : memref<2000x32xf32, #tpu.memory_space<vmem>>, vector<1x16xf32>,
        %add3A_94 = arith.constant 1 : i32
        %add3A_95 = arith.addi %mul3A_72, %add3A_94 : i32
        %slice3A_96 = vector.extract_strided_slice %exp3A {offsets = [1], sizes = [1], strides = [1]} : vector<16xf32> to vector<1xf32>
        %squeeze3A_97 = vector.extract %slice3A_96[0] : f32 from vector<1xf32>
        %broadcast_in_dim3A_98 = vector.broadcast %squeeze3A_97 : f32 to vector<16xf32>
        %get3A_99 = arith.index_cast %add3A_95 : i32 to index
        %get3A_100 = arith.constant 0 : index
        %get3A_101 = tpu.vector_load %arg9[%get3A_99, %get3A_100] {strides = array<i32>} : memref<2000x16xf32, #tpu.memory_space<vmem>>, vector<1x16xf32>,
        %get3A_102 = vector.shape_cast %get3A_101 : vector<1x16xf32> to vector<16xf32>
        %mul3A_103 = arith.mulf %get3A_102, %broadcast_in_dim3A_98 : vector<16xf32>
        %swap3A_104 = arith.index_cast %add3A_95 : i32 to index
        %swap3A_105 = arith.constant 0 : index
        %swap3A_106 = tpu.vector_load %arg10[%swap3A_104, %swap3A_105] {strides = array<i32>} : memref<2000x32xf32, #tpu.memory_space<vmem>>, vector<1x16xf32>,
        %swap3A_107 = vector.shape_cast %swap3A_106 : vector<1x16xf32> to vector<16xf32>
        %swap3A_108 = vector.shape_cast %mul3A_103 : vector<16xf32> to vector<1x16xf32>
        tpu.vector_store %arg10[%swap3A_104, %swap3A_105], %swap3A_108 {strides = array<i32>} : memref<2000x32xf32, #tpu.memory_space<vmem>>, vector<1x16xf32>,
        %mul3A_109 = arith.mulf %broadcast_in_dim3A_98, %get3A_3 : vector<16xf32>
        %swap3A_110 = arith.index_cast %add3A_95 : i32 to index
        %swap3A_111 = arith.constant 16 : index
        %swap3A_112 = tpu.vector_load %arg10[%swap3A_110, %swap3A_111] {strides = array<i32>} : memref<2000x32xf32, #tpu.memory_space<vmem>>, vector<1x16xf32>,
        %swap3A_113 = vector.shape_cast %swap3A_112 : vector<1x16xf32> to vector<16xf32>
        %swap3A_114 = vector.shape_cast %mul3A_109 : vector<16xf32> to vector<1x16xf32>
        tpu.vector_store %arg10[%swap3A_110, %swap3A_111], %swap3A_114 {strides = array<i32>} : memref<2000x32xf32, #tpu.memory_space<vmem>>, vector<1x16xf32>,
        %add3A_115 = arith.constant 2 : i32
        %add3A_116 = arith.addi %mul3A_72, %add3A_115 : i32
        %slice3A_117 = vector.extract_strided_slice %exp3A {offsets = [2], sizes = [1], strides = [1]} : vector<16xf32> to vector<1xf32>
        %squeeze3A_118 = vector.extract %slice3A_117[0] : f32 from vector<1xf32>
        %broadcast_in_dim3A_119 = vector.broadcast %squeeze3A_118 : f32 to vector<16xf32>
        %get3A_120 = arith.index_cast %add3A_116 : i32 to index
        %get3A_121 = arith.constant 0 : index
        %get3A_122 = tpu.vector_load %arg9[%get3A_120, %get3A_121] {strides = array<i32>} : memref<2000x16xf32, #tpu.memory_space<vmem>>, vector<1x16xf32>,
        %get3A_123 = vector.shape_cast %get3A_122 : vector<1x16xf32> to vector<16xf32>
        %mul3A_124 = arith.mulf %get3A_123, %broadcast_in_dim3A_119 : vector<16xf32>
        %swap3A_125 = arith.index_cast %add3A_116 : i32 to index
        %swap3A_126 = arith.constant 0 : index
        %swap3A_127 = tpu.vector_load %arg10[%swap3A_125, %swap3A_126] {strides = array<i32>} : memref<2000x32xf32, #tpu.memory_space<vmem>>, vector<1x16xf32>,
        %swap3A_128 = vector.shape_cast %swap3A_127 : vector<1x16xf32> to vector<16xf32>
        %swap3A_129 = vector.shape_cast %mul3A_124 : vector<16xf32> to vector<1x16xf32>
        tpu.vector_store %arg10[%swap3A_125, %swap3A_126], %swap3A_129 {strides = array<i32>} : memref<2000x32xf32, #tpu.memory_space<vmem>>, vector<1x16xf32>,
        %mul3A_130 = arith.mulf %broadcast_in_dim3A_119, %get3A_3 : vector<16xf32>
        %swap3A_131 = arith.index_cast %add3A_116 : i32 to index
        %swap3A_132 = arith.constant 16 : index
        %swap3A_133 = tpu.vector_load %arg10[%swap3A_131, %swap3A_132] {strides = array<i32>} : memref<2000x32xf32, #tpu.memory_space<vmem>>, vector<1x16xf32>,
        %swap3A_134 = vector.shape_cast %swap3A_133 : vector<1x16xf32> to vector<16xf32>
        %swap3A_135 = vector.shape_cast %mul3A_130 : vector<16xf32> to vector<1x16xf32>
        tpu.vector_store %arg10[%swap3A_131, %swap3A_132], %swap3A_135 {strides = array<i32>} : memref<2000x32xf32, #tpu.memory_space<vmem>>, vector<1x16xf32>,
        %add3A_136 = arith.constant 3 : i32
        %add3A_137 = arith.addi %mul3A_72, %add3A_136 : i32
        %slice3A_138 = vector.extract_strided_slice %exp3A {offsets = [3], sizes = [1], strides = [1]} : vector<16xf32> to vector<1xf32>
        %squeeze3A_139 = vector.extract %slice3A_138[0] : f32 from vector<1xf32>
        %broadcast_in_dim3A_140 = vector.broadcast %squeeze3A_139 : f32 to vector<16xf32>
        %get3A_141 = arith.index_cast %add3A_137 : i32 to index
        %get3A_142 = arith.constant 0 : index
        %get3A_143 = tpu.vector_load %arg9[%get3A_141, %get3A_142] {strides = array<i32>} : memref<2000x16xf32, #tpu.memory_space<vmem>>, vector<1x16xf32>,
        %get3A_144 = vector.shape_cast %get3A_143 : vector<1x16xf32> to vector<16xf32>
        %mul3A_145 = arith.mulf %get3A_144, %broadcast_in_dim3A_140 : vector<16xf32>
        %swap3A_146 = arith.index_cast %add3A_137 : i32 to index
        %swap3A_147 = arith.constant 0 : index
        %swap3A_148 = tpu.vector_load %arg10[%swap3A_146, %swap3A_147] {strides = array<i32>} : memref<2000x32xf32, #tpu.memory_space<vmem>>, vector<1x16xf32>,
        %swap3A_149 = vector.shape_cast %swap3A_148 : vector<1x16xf32> to vector<16xf32>
        %swap3A_150 = vector.shape_cast %mul3A_145 : vector<16xf32> to vector<1x16xf32>
        tpu.vector_store %arg10[%swap3A_146, %swap3A_147], %swap3A_150 {strides = array<i32>} : memref<2000x32xf32, #tpu.memory_space<vmem>>, vector<1x16xf32>,
        %mul3A_151 = arith.mulf %broadcast_in_dim3A_140, %get3A_3 : vector<16xf32>
        %swap3A_152 = arith.index_cast %add3A_137 : i32 to index
        %swap3A_153 = arith.constant 16 : index
        %swap3A_154 = tpu.vector_load %arg10[%swap3A_152, %swap3A_153] {strides = array<i32>} : memref<2000x32xf32, #tpu.memory_space<vmem>>, vector<1x16xf32>,
        %swap3A_155 = vector.shape_cast %swap3A_154 : vector<1x16xf32> to vector<16xf32>
        %swap3A_156 = vector.shape_cast %mul3A_151 : vector<16xf32> to vector<1x16xf32>
        tpu.vector_store %arg10[%swap3A_152, %swap3A_153], %swap3A_156 {strides = array<i32>} : memref<2000x32xf32, #tpu.memory_space<vmem>>, vector<1x16xf32>,
        %add3A_157 = arith.constant 4 : i32
        %add3A_158 = arith.addi %mul3A_72, %add3A_157 : i32
        %slice3A_159 = vector.extract_strided_slice %exp3A {offsets = [4], sizes = [1], strides = [1]} : vector<16xf32> to vector<1xf32>
        %squeeze3A_160 = vector.extract %slice3A_159[0] : f32 from vector<1xf32>
        %broadcast_in_dim3A_161 = vector.broadcast %squeeze3A_160 : f32 to vector<16xf32>
        %get3A_162 = arith.index_cast %add3A_158 : i32 to index
        %get3A_163 = arith.constant 0 : index
        %get3A_164 = tpu.vector_load %arg9[%get3A_162, %get3A_163] {strides = array<i32>} : memref<2000x16xf32, #tpu.memory_space<vmem>>, vector<1x16xf32>,
        %get3A_165 = vector.shape_cast %get3A_164 : vector<1x16xf32> to vector<16xf32>
        %mul3A_166 = arith.mulf %get3A_165, %broadcast_in_dim3A_161 : vector<16xf32>
        %swap3A_167 = arith.index_cast %add3A_158 : i32 to index
        %swap3A_168 = arith.constant 0 : index
        %swap3A_169 = tpu.vector_load %arg10[%swap3A_167, %swap3A_168] {strides = array<i32>} : memref<2000x32xf32, #tpu.memory_space<vmem>>, vector<1x16xf32>,
        %swap3A_170 = vector.shape_cast %swap3A_169 : vector<1x16xf32> to vector<16xf32>
        %swap3A_171 = vector.shape_cast %mul3A_166 : vector<16xf32> to vector<1x16xf32>
        tpu.vector_store %arg10[%swap3A_167, %swap3A_168], %swap3A_171 {strides = array<i32>} : memref<2000x32xf32, #tpu.memory_space<vmem>>, vector<1x16xf32>,
        %mul3A_172 = arith.mulf %broadcast_in_dim3A_161, %get3A_3 : vector<16xf32>
        %swap3A_173 = arith.index_cast %add3A_158 : i32 to index
        %swap3A_174 = arith.constant 16 : index
        %swap3A_175 = tpu.vector_load %arg10[%swap3A_173, %swap3A_174] {strides = array<i32>} : memref<2000x32xf32, #tpu.memory_space<vmem>>, vector<1x16xf32>,
        %swap3A_176 = vector.shape_cast %swap3A_175 : vector<1x16xf32> to vector<16xf32>
        %swap3A_177 = vector.shape_cast %mul3A_172 : vector<16xf32> to vector<1x16xf32>
        tpu.vector_store %arg10[%swap3A_173, %swap3A_174], %swap3A_177 {strides = array<i32>} : memref<2000x32xf32, #tpu.memory_space<vmem>>, vector<1x16xf32>,
        %add3A_178 = arith.constant 5 : i32
        %add3A_179 = arith.addi %mul3A_72, %add3A_178 : i32
        %slice3A_180 = vector.extract_strided_slice %exp3A {offsets = [5], sizes = [1], strides = [1]} : vector<16xf32> to vector<1xf32>
        %squeeze3A_181 = vector.extract %slice3A_180[0] : f32 from vector<1xf32>
        %broadcast_in_dim3A_182 = vector.broadcast %squeeze3A_181 : f32 to vector<16xf32>
        %get3A_183 = arith.index_cast %add3A_179 : i32 to index
        %get3A_184 = arith.constant 0 : index
        %get3A_185 = tpu.vector_load %arg9[%get3A_183, %get3A_184] {strides = array<i32>} : memref<2000x16xf32, #tpu.memory_space<vmem>>, vector<1x16xf32>,
        %get3A_186 = vector.shape_cast %get3A_185 : vector<1x16xf32> to vector<16xf32>
        %mul3A_187 = arith.mulf %get3A_186, %broadcast_in_dim3A_182 : vector<16xf32>
        %swap3A_188 = arith.index_cast %add3A_179 : i32 to index
        %swap3A_189 = arith.constant 0 : index
        %swap3A_190 = tpu.vector_load %arg10[%swap3A_188, %swap3A_189] {strides = array<i32>} : memref<2000x32xf32, #tpu.memory_space<vmem>>, vector<1x16xf32>,
        %swap3A_191 = vector.shape_cast %swap3A_190 : vector<1x16xf32> to vector<16xf32>
        %swap3A_192 = vector.shape_cast %mul3A_187 : vector<16xf32> to vector<1x16xf32>
        tpu.vector_store %arg10[%swap3A_188, %swap3A_189], %swap3A_192 {strides = array<i32>} : memref<2000x32xf32, #tpu.memory_space<vmem>>, vector<1x16xf32>,
        %mul3A_193 = arith.mulf %broadcast_in_dim3A_182, %get3A_3 : vector<16xf32>
        %swap3A_194 = arith.index_cast %add3A_179 : i32 to index
        %swap3A_195 = arith.constant 16 : index
        %swap3A_196 = tpu.vector_load %arg10[%swap3A_194, %swap3A_195] {strides = array<i32>} : memref<2000x32xf32, #tpu.memory_space<vmem>>, vector<1x16xf32>,
        %swap3A_197 = vector.shape_cast %swap3A_196 : vector<1x16xf32> to vector<16xf32>
        %swap3A_198 = vector.shape_cast %mul3A_193 : vector<16xf32> to vector<1x16xf32>
        tpu.vector_store %arg10[%swap3A_194, %swap3A_195], %swap3A_198 {strides = array<i32>} : memref<2000x32xf32, #tpu.memory_space<vmem>>, vector<1x16xf32>,
        %add3A_199 = arith.constant 6 : i32
        %add3A_200 = arith.addi %mul3A_72, %add3A_199 : i32
        %slice3A_201 = vector.extract_strided_slice %exp3A {offsets = [6], sizes = [1], strides = [1]} : vector<16xf32> to vector<1xf32>
        %squeeze3A_202 = vector.extract %slice3A_201[0] : f32 from vector<1xf32>
        %broadcast_in_dim3A_203 = vector.broadcast %squeeze3A_202 : f32 to vector<16xf32>
        %get3A_204 = arith.index_cast %add3A_200 : i32 to index
        %get3A_205 = arith.constant 0 : index
        %get3A_206 = tpu.vector_load %arg9[%get3A_204, %get3A_205] {strides = array<i32>} : memref<2000x16xf32, #tpu.memory_space<vmem>>, vector<1x16xf32>,
        %get3A_207 = vector.shape_cast %get3A_206 : vector<1x16xf32> to vector<16xf32>
        %mul3A_208 = arith.mulf %get3A_207, %broadcast_in_dim3A_203 : vector<16xf32>
        %swap3A_209 = arith.index_cast %add3A_200 : i32 to index
        %swap3A_210 = arith.constant 0 : index
        %swap3A_211 = tpu.vector_load %arg10[%swap3A_209, %swap3A_210] {strides = array<i32>} : memref<2000x32xf32, #tpu.memory_space<vmem>>, vector<1x16xf32>,
        %swap3A_212 = vector.shape_cast %swap3A_211 : vector<1x16xf32> to vector<16xf32>
        %swap3A_213 = vector.shape_cast %mul3A_208 : vector<16xf32> to vector<1x16xf32>
        tpu.vector_store %arg10[%swap3A_209, %swap3A_210], %swap3A_213 {strides = array<i32>} : memref<2000x32xf32, #tpu.memory_space<vmem>>, vector<1x16xf32>,
        %mul3A_214 = arith.mulf %broadcast_in_dim3A_203, %get3A_3 : vector<16xf32>
        %swap3A_215 = arith.index_cast %add3A_200 : i32 to index
        %swap3A_216 = arith.constant 16 : index
        %swap3A_217 = tpu.vector_load %arg10[%swap3A_215, %swap3A_216] {strides = array<i32>} : memref<2000x32xf32, #tpu.memory_space<vmem>>, vector<1x16xf32>,
        %swap3A_218 = vector.shape_cast %swap3A_217 : vector<1x16xf32> to vector<16xf32>
        %swap3A_219 = vector.shape_cast %mul3A_214 : vector<16xf32> to vector<1x16xf32>
        tpu.vector_store %arg10[%swap3A_215, %swap3A_216], %swap3A_219 {strides = array<i32>} : memref<2000x32xf32, #tpu.memory_space<vmem>>, vector<1x16xf32>,
        %add3A_220 = arith.constant 7 : i32
        %add3A_221 = arith.addi %mul3A_72, %add3A_220 : i32
        %slice3A_222 = vector.extract_strided_slice %exp3A {offsets = [7], sizes = [1], strides = [1]} : vector<16xf32> to vector<1xf32>
        %squeeze3A_223 = vector.extract %slice3A_222[0] : f32 from vector<1xf32>
        %broadcast_in_dim3A_224 = vector.broadcast %squeeze3A_223 : f32 to vector<16xf32>
        %get3A_225 = arith.index_cast %add3A_221 : i32 to index
        %get3A_226 = arith.constant 0 : index
        %get3A_227 = tpu.vector_load %arg9[%get3A_225, %get3A_226] {strides = array<i32>} : memref<2000x16xf32, #tpu.memory_space<vmem>>, vector<1x16xf32>,
        %get3A_228 = vector.shape_cast %get3A_227 : vector<1x16xf32> to vector<16xf32>
        %mul3A_229 = arith.mulf %get3A_228, %broadcast_in_dim3A_224 : vector<16xf32>
        %swap3A_230 = arith.index_cast %add3A_221 : i32 to index
        %swap3A_231 = arith.constant 0 : index
        %swap3A_232 = tpu.vector_load %arg10[%swap3A_230, %swap3A_231] {strides = array<i32>} : memref<2000x32xf32, #tpu.memory_space<vmem>>, vector<1x16xf32>,
        %swap3A_233 = vector.shape_cast %swap3A_232 : vector<1x16xf32> to vector<16xf32>
        %swap3A_234 = vector.shape_cast %mul3A_229 : vector<16xf32> to vector<1x16xf32>
        tpu.vector_store %arg10[%swap3A_230, %swap3A_231], %swap3A_234 {strides = array<i32>} : memref<2000x32xf32, #tpu.memory_space<vmem>>, vector<1x16xf32>,
        %mul3A_235 = arith.mulf %broadcast_in_dim3A_224, %get3A_3 : vector<16xf32>
        %swap3A_236 = arith.index_cast %add3A_221 : i32 to index
        %swap3A_237 = arith.constant 16 : index
        %swap3A_238 = tpu.vector_load %arg10[%swap3A_236, %swap3A_237] {strides = array<i32>} : memref<2000x32xf32, #tpu.memory_space<vmem>>, vector<1x16xf32>,
        %swap3A_239 = vector.shape_cast %swap3A_238 : vector<1x16xf32> to vector<16xf32>
        %swap3A_240 = vector.shape_cast %mul3A_235 : vector<16xf32> to vector<1x16xf32>
        tpu.vector_store %arg10[%swap3A_236, %swap3A_237], %swap3A_240 {strides = array<i32>} : memref<2000x32xf32, #tpu.memory_space<vmem>>, vector<1x16xf32>,
        %add3A_241 = arith.constant 8 : i32
        %add3A_242 = arith.addi %mul3A_72, %add3A_241 : i32
        %slice3A_243 = vector.extract_strided_slice %exp3A {offsets = [8], sizes = [1], strides = [1]} : vector<16xf32> to vector<1xf32>
        %squeeze3A_244 = vector.extract %slice3A_243[0] : f32 from vector<1xf32>
        %broadcast_in_dim3A_245 = vector.broadcast %squeeze3A_244 : f32 to vector<16xf32>
        %get3A_246 = arith.index_cast %add3A_242 : i32 to index
        %get3A_247 = arith.constant 0 : index
        %get3A_248 = tpu.vector_load %arg9[%get3A_246, %get3A_247] {strides = array<i32>} : memref<2000x16xf32, #tpu.memory_space<vmem>>, vector<1x16xf32>,
        %get3A_249 = vector.shape_cast %get3A_248 : vector<1x16xf32> to vector<16xf32>
        %mul3A_250 = arith.mulf %get3A_249, %broadcast_in_dim3A_245 : vector<16xf32>
        %swap3A_251 = arith.index_cast %add3A_242 : i32 to index
        %swap3A_252 = arith.constant 0 : index
        %swap3A_253 = tpu.vector_load %arg10[%swap3A_251, %swap3A_252] {strides = array<i32>} : memref<2000x32xf32, #tpu.memory_space<vmem>>, vector<1x16xf32>,
        %swap3A_254 = vector.shape_cast %swap3A_253 : vector<1x16xf32> to vector<16xf32>
        %swap3A_255 = vector.shape_cast %mul3A_250 : vector<16xf32> to vector<1x16xf32>
        tpu.vector_store %arg10[%swap3A_251, %swap3A_252], %swap3A_255 {strides = array<i32>} : memref<2000x32xf32, #tpu.memory_space<vmem>>, vector<1x16xf32>,
        %mul3A_256 = arith.mulf %broadcast_in_dim3A_245, %get3A_3 : vector<16xf32>
        %swap3A_257 = arith.index_cast %add3A_242 : i32 to index
        %swap3A_258 = arith.constant 16 : index
        %swap3A_259 = tpu.vector_load %arg10[%swap3A_257, %swap3A_258] {strides = array<i32>} : memref<2000x32xf32, #tpu.memory_space<vmem>>, vector<1x16xf32>,
        %swap3A_260 = vector.shape_cast %swap3A_259 : vector<1x16xf32> to vector<16xf32>
        %swap3A_261 = vector.shape_cast %mul3A_256 : vector<16xf32> to vector<1x16xf32>
        tpu.vector_store %arg10[%swap3A_257, %swap3A_258], %swap3A_261 {strides = array<i32>} : memref<2000x32xf32, #tpu.memory_space<vmem>>, vector<1x16xf32>,
        %add3A_262 = arith.constant 9 : i32
        %add3A_263 = arith.addi %mul3A_72, %add3A_262 : i32
        %slice3A_264 = vector.extract_strided_slice %exp3A {offsets = [9], sizes = [1], strides = [1]} : vector<16xf32> to vector<1xf32>
        %squeeze3A_265 = vector.extract %slice3A_264[0] : f32 from vector<1xf32>
        %broadcast_in_dim3A_266 = vector.broadcast %squeeze3A_265 : f32 to vector<16xf32>
        %get3A_267 = arith.index_cast %add3A_263 : i32 to index
        %get3A_268 = arith.constant 0 : index
        %get3A_269 = tpu.vector_load %arg9[%get3A_267, %get3A_268] {strides = array<i32>} : memref<2000x16xf32, #tpu.memory_space<vmem>>, vector<1x16xf32>,
        %get3A_270 = vector.shape_cast %get3A_269 : vector<1x16xf32> to vector<16xf32>
        %mul3A_271 = arith.mulf %get3A_270, %broadcast_in_dim3A_266 : vector<16xf32>
        %swap3A_272 = arith.index_cast %add3A_263 : i32 to index
        %swap3A_273 = arith.constant 0 : index
        %swap3A_274 = tpu.vector_load %arg10[%swap3A_272, %swap3A_273] {strides = array<i32>} : memref<2000x32xf32, #tpu.memory_space<vmem>>, vector<1x16xf32>,
        %swap3A_275 = vector.shape_cast %swap3A_274 : vector<1x16xf32> to vector<16xf32>
        %swap3A_276 = vector.shape_cast %mul3A_271 : vector<16xf32> to vector<1x16xf32>
        tpu.vector_store %arg10[%swap3A_272, %swap3A_273], %swap3A_276 {strides = array<i32>} : memref<2000x32xf32, #tpu.memory_space<vmem>>, vector<1x16xf32>,
        %mul3A_277 = arith.mulf %broadcast_in_dim3A_266, %get3A_3 : vector<16xf32>
        %swap3A_278 = arith.index_cast %add3A_263 : i32 to index
        %swap3A_279 = arith.constant 16 : index
        %swap3A_280 = tpu.vector_load %arg10[%swap3A_278, %swap3A_279] {strides = array<i32>} : memref<2000x32xf32, #tpu.memory_space<vmem>>, vector<1x16xf32>,
        %swap3A_281 = vector.shape_cast %swap3A_280 : vector<1x16xf32> to vector<16xf32>
        %swap3A_282 = vector.shape_cast %mul3A_277 : vector<16xf32> to vector<1x16xf32>
        tpu.vector_store %arg10[%swap3A_278, %swap3A_279], %swap3A_282 {strides = array<i32>} : memref<2000x32xf32, #tpu.memory_space<vmem>>, vector<1x16xf32>,
        %add3A_283 = arith.constant 10 : i32
        %add3A_284 = arith.addi %mul3A_72, %add3A_283 : i32
        %slice3A_285 = vector.extract_strided_slice %exp3A {offsets = [10], sizes = [1], strides = [1]} : vector<16xf32> to vector<1xf32>
        %squeeze3A_286 = vector.extract %slice3A_285[0] : f32 from vector<1xf32>
        %broadcast_in_dim3A_287 = vector.broadcast %squeeze3A_286 : f32 to vector<16xf32>
        %get3A_288 = arith.index_cast %add3A_284 : i32 to index
        %get3A_289 = arith.constant 0 : index
        %get3A_290 = tpu.vector_load %arg9[%get3A_288, %get3A_289] {strides = array<i32>} : memref<2000x16xf32, #tpu.memory_space<vmem>>, vector<1x16xf32>,
        %get3A_291 = vector.shape_cast %get3A_290 : vector<1x16xf32> to vector<16xf32>
        %mul3A_292 = arith.mulf %get3A_291, %broadcast_in_dim3A_287 : vector<16xf32>
        %swap3A_293 = arith.index_cast %add3A_284 : i32 to index
        %swap3A_294 = arith.constant 0 : index
        %swap3A_295 = tpu.vector_load %arg10[%swap3A_293, %swap3A_294] {strides = array<i32>} : memref<2000x32xf32, #tpu.memory_space<vmem>>, vector<1x16xf32>,
        %swap3A_296 = vector.shape_cast %swap3A_295 : vector<1x16xf32> to vector<16xf32>
        %swap3A_297 = vector.shape_cast %mul3A_292 : vector<16xf32> to vector<1x16xf32>
        tpu.vector_store %arg10[%swap3A_293, %swap3A_294], %swap3A_297 {strides = array<i32>} : memref<2000x32xf32, #tpu.memory_space<vmem>>, vector<1x16xf32>,
        %mul3A_298 = arith.mulf %broadcast_in_dim3A_287, %get3A_3 : vector<16xf32>
        %swap3A_299 = arith.index_cast %add3A_284 : i32 to index
        %swap3A_300 = arith.constant 16 : index
        %swap3A_301 = tpu.vector_load %arg10[%swap3A_299, %swap3A_300] {strides = array<i32>} : memref<2000x32xf32, #tpu.memory_space<vmem>>, vector<1x16xf32>,
        %swap3A_302 = vector.shape_cast %swap3A_301 : vector<1x16xf32> to vector<16xf32>
        %swap3A_303 = vector.shape_cast %mul3A_298 : vector<16xf32> to vector<1x16xf32>
        tpu.vector_store %arg10[%swap3A_299, %swap3A_300], %swap3A_303 {strides = array<i32>} : memref<2000x32xf32, #tpu.memory_space<vmem>>, vector<1x16xf32>,
        %add3A_304 = arith.constant 11 : i32
        %add3A_305 = arith.addi %mul3A_72, %add3A_304 : i32
        %slice3A_306 = vector.extract_strided_slice %exp3A {offsets = [11], sizes = [1], strides = [1]} : vector<16xf32> to vector<1xf32>
        %squeeze3A_307 = vector.extract %slice3A_306[0] : f32 from vector<1xf32>
        %broadcast_in_dim3A_308 = vector.broadcast %squeeze3A_307 : f32 to vector<16xf32>
        %get3A_309 = arith.index_cast %add3A_305 : i32 to index
        %get3A_310 = arith.constant 0 : index
        %get3A_311 = tpu.vector_load %arg9[%get3A_309, %get3A_310] {strides = array<i32>} : memref<2000x16xf32, #tpu.memory_space<vmem>>, vector<1x16xf32>,
        %get3A_312 = vector.shape_cast %get3A_311 : vector<1x16xf32> to vector<16xf32>
        %mul3A_313 = arith.mulf %get3A_312, %broadcast_in_dim3A_308 : vector<16xf32>
        %swap3A_314 = arith.index_cast %add3A_305 : i32 to index
        %swap3A_315 = arith.constant 0 : index
        %swap3A_316 = tpu.vector_load %arg10[%swap3A_314, %swap3A_315] {strides = array<i32>} : memref<2000x32xf32, #tpu.memory_space<vmem>>, vector<1x16xf32>,
        %swap3A_317 = vector.shape_cast %swap3A_316 : vector<1x16xf32> to vector<16xf32>
        %swap3A_318 = vector.shape_cast %mul3A_313 : vector<16xf32> to vector<1x16xf32>
        tpu.vector_store %arg10[%swap3A_314, %swap3A_315], %swap3A_318 {strides = array<i32>} : memref<2000x32xf32, #tpu.memory_space<vmem>>, vector<1x16xf32>,
        %mul3A_319 = arith.mulf %broadcast_in_dim3A_308, %get3A_3 : vector<16xf32>
        %swap3A_320 = arith.index_cast %add3A_305 : i32 to index
        %swap3A_321 = arith.constant 16 : index
        %swap3A_322 = tpu.vector_load %arg10[%swap3A_320, %swap3A_321] {strides = array<i32>} : memref<2000x32xf32, #tpu.memory_space<vmem>>, vector<1x16xf32>,
        %swap3A_323 = vector.shape_cast %swap3A_322 : vector<1x16xf32> to vector<16xf32>
        %swap3A_324 = vector.shape_cast %mul3A_319 : vector<16xf32> to vector<1x16xf32>
        tpu.vector_store %arg10[%swap3A_320, %swap3A_321], %swap3A_324 {strides = array<i32>} : memref<2000x32xf32, #tpu.memory_space<vmem>>, vector<1x16xf32>,
        %add3A_325 = arith.constant 12 : i32
        %add3A_326 = arith.addi %mul3A_72, %add3A_325 : i32
        %slice3A_327 = vector.extract_strided_slice %exp3A {offsets = [12], sizes = [1], strides = [1]} : vector<16xf32> to vector<1xf32>
        %squeeze3A_328 = vector.extract %slice3A_327[0] : f32 from vector<1xf32>
        %broadcast_in_dim3A_329 = vector.broadcast %squeeze3A_328 : f32 to vector<16xf32>
        %get3A_330 = arith.index_cast %add3A_326 : i32 to index
        %get3A_331 = arith.constant 0 : index
        %get3A_332 = tpu.vector_load %arg9[%get3A_330, %get3A_331] {strides = array<i32>} : memref<2000x16xf32, #tpu.memory_space<vmem>>, vector<1x16xf32>,
        %get3A_333 = vector.shape_cast %get3A_332 : vector<1x16xf32> to vector<16xf32>
        %mul3A_334 = arith.mulf %get3A_333, %broadcast_in_dim3A_329 : vector<16xf32>
        %swap3A_335 = arith.index_cast %add3A_326 : i32 to index
        %swap3A_336 = arith.constant 0 : index
        %swap3A_337 = tpu.vector_load %arg10[%swap3A_335, %swap3A_336] {strides = array<i32>} : memref<2000x32xf32, #tpu.memory_space<vmem>>, vector<1x16xf32>,
        %swap3A_338 = vector.shape_cast %swap3A_337 : vector<1x16xf32> to vector<16xf32>
        %swap3A_339 = vector.shape_cast %mul3A_334 : vector<16xf32> to vector<1x16xf32>
        tpu.vector_store %arg10[%swap3A_335, %swap3A_336], %swap3A_339 {strides = array<i32>} : memref<2000x32xf32, #tpu.memory_space<vmem>>, vector<1x16xf32>,
        %mul3A_340 = arith.mulf %broadcast_in_dim3A_329, %get3A_3 : vector<16xf32>
        %swap3A_341 = arith.index_cast %add3A_326 : i32 to index
        %swap3A_342 = arith.constant 16 : index
        %swap3A_343 = tpu.vector_load %arg10[%swap3A_341, %swap3A_342] {strides = array<i32>} : memref<2000x32xf32, #tpu.memory_space<vmem>>, vector<1x16xf32>,
        %swap3A_344 = vector.shape_cast %swap3A_343 : vector<1x16xf32> to vector<16xf32>
        %swap3A_345 = vector.shape_cast %mul3A_340 : vector<16xf32> to vector<1x16xf32>
        tpu.vector_store %arg10[%swap3A_341, %swap3A_342], %swap3A_345 {strides = array<i32>} : memref<2000x32xf32, #tpu.memory_space<vmem>>, vector<1x16xf32>,
        %add3A_346 = arith.constant 13 : i32
        %add3A_347 = arith.addi %mul3A_72, %add3A_346 : i32
        %slice3A_348 = vector.extract_strided_slice %exp3A {offsets = [13], sizes = [1], strides = [1]} : vector<16xf32> to vector<1xf32>
        %squeeze3A_349 = vector.extract %slice3A_348[0] : f32 from vector<1xf32>
        %broadcast_in_dim3A_350 = vector.broadcast %squeeze3A_349 : f32 to vector<16xf32>
        %get3A_351 = arith.index_cast %add3A_347 : i32 to index
        %get3A_352 = arith.constant 0 : index
        %get3A_353 = tpu.vector_load %arg9[%get3A_351, %get3A_352] {strides = array<i32>} : memref<2000x16xf32, #tpu.memory_space<vmem>>, vector<1x16xf32>,
        %get3A_354 = vector.shape_cast %get3A_353 : vector<1x16xf32> to vector<16xf32>
        %mul3A_355 = arith.mulf %get3A_354, %broadcast_in_dim3A_350 : vector<16xf32>
        %swap3A_356 = arith.index_cast %add3A_347 : i32 to index
        %swap3A_357 = arith.constant 0 : index
        %swap3A_358 = tpu.vector_load %arg10[%swap3A_356, %swap3A_357] {strides = array<i32>} : memref<2000x32xf32, #tpu.memory_space<vmem>>, vector<1x16xf32>,
        %swap3A_359 = vector.shape_cast %swap3A_358 : vector<1x16xf32> to vector<16xf32>
        %swap3A_360 = vector.shape_cast %mul3A_355 : vector<16xf32> to vector<1x16xf32>
        tpu.vector_store %arg10[%swap3A_356, %swap3A_357], %swap3A_360 {strides = array<i32>} : memref<2000x32xf32, #tpu.memory_space<vmem>>, vector<1x16xf32>,
        %mul3A_361 = arith.mulf %broadcast_in_dim3A_350, %get3A_3 : vector<16xf32>
        %swap3A_362 = arith.index_cast %add3A_347 : i32 to index
        %swap3A_363 = arith.constant 16 : index
        %swap3A_364 = tpu.vector_load %arg10[%swap3A_362, %swap3A_363] {strides = array<i32>} : memref<2000x32xf32, #tpu.memory_space<vmem>>, vector<1x16xf32>,
        %swap3A_365 = vector.shape_cast %swap3A_364 : vector<1x16xf32> to vector<16xf32>
        %swap3A_366 = vector.shape_cast %mul3A_361 : vector<16xf32> to vector<1x16xf32>
        tpu.vector_store %arg10[%swap3A_362, %swap3A_363], %swap3A_366 {strides = array<i32>} : memref<2000x32xf32, #tpu.memory_space<vmem>>, vector<1x16xf32>,
        %add3A_367 = arith.constant 14 : i32
        %add3A_368 = arith.addi %mul3A_72, %add3A_367 : i32
        %slice3A_369 = vector.extract_strided_slice %exp3A {offsets = [14], sizes = [1], strides = [1]} : vector<16xf32> to vector<1xf32>
        %squeeze3A_370 = vector.extract %slice3A_369[0] : f32 from vector<1xf32>
        %broadcast_in_dim3A_371 = vector.broadcast %squeeze3A_370 : f32 to vector<16xf32>
        %get3A_372 = arith.index_cast %add3A_368 : i32 to index
        %get3A_373 = arith.constant 0 : index
        %get3A_374 = tpu.vector_load %arg9[%get3A_372, %get3A_373] {strides = array<i32>} : memref<2000x16xf32, #tpu.memory_space<vmem>>, vector<1x16xf32>,
        %get3A_375 = vector.shape_cast %get3A_374 : vector<1x16xf32> to vector<16xf32>
        %mul3A_376 = arith.mulf %get3A_375, %broadcast_in_dim3A_371 : vector<16xf32>
        %swap3A_377 = arith.index_cast %add3A_368 : i32 to index
        %swap3A_378 = arith.constant 0 : index
        %swap3A_379 = tpu.vector_load %arg10[%swap3A_377, %swap3A_378] {strides = array<i32>} : memref<2000x32xf32, #tpu.memory_space<vmem>>, vector<1x16xf32>,
        %swap3A_380 = vector.shape_cast %swap3A_379 : vector<1x16xf32> to vector<16xf32>
        %swap3A_381 = vector.shape_cast %mul3A_376 : vector<16xf32> to vector<1x16xf32>
        tpu.vector_store %arg10[%swap3A_377, %swap3A_378], %swap3A_381 {strides = array<i32>} : memref<2000x32xf32, #tpu.memory_space<vmem>>, vector<1x16xf32>,
        %mul3A_382 = arith.mulf %broadcast_in_dim3A_371, %get3A_3 : vector<16xf32>
        %swap3A_383 = arith.index_cast %add3A_368 : i32 to index
        %swap3A_384 = arith.constant 16 : index
        %swap3A_385 = tpu.vector_load %arg10[%swap3A_383, %swap3A_384] {strides = array<i32>} : memref<2000x32xf32, #tpu.memory_space<vmem>>, vector<1x16xf32>,
        %swap3A_386 = vector.shape_cast %swap3A_385 : vector<1x16xf32> to vector<16xf32>
        %swap3A_387 = vector.shape_cast %mul3A_382 : vector<16xf32> to vector<1x16xf32>
        tpu.vector_store %arg10[%swap3A_383, %swap3A_384], %swap3A_387 {strides = array<i32>} : memref<2000x32xf32, #tpu.memory_space<vmem>>, vector<1x16xf32>,
        %add3A_388 = arith.constant 15 : i32
        %add3A_389 = arith.addi %mul3A_72, %add3A_388 : i32
        %slice3A_390 = vector.extract_strided_slice %exp3A {offsets = [15], sizes = [1], strides = [1]} : vector<16xf32> to vector<1xf32>
        %squeeze3A_391 = vector.extract %slice3A_390[0] : f32 from vector<1xf32>
        %broadcast_in_dim3A_392 = vector.broadcast %squeeze3A_391 : f32 to vector<16xf32>
        %get3A_393 = arith.index_cast %add3A_389 : i32 to index
        %get3A_394 = arith.constant 0 : index
        %get3A_395 = tpu.vector_load %arg9[%get3A_393, %get3A_394] {strides = array<i32>} : memref<2000x16xf32, #tpu.memory_space<vmem>>, vector<1x16xf32>,
        %get3A_396 = vector.shape_cast %get3A_395 : vector<1x16xf32> to vector<16xf32>
        %mul3A_397 = arith.mulf %get3A_396, %broadcast_in_dim3A_392 : vector<16xf32>
        %swap3A_398 = arith.index_cast %add3A_389 : i32 to index
        %swap3A_399 = arith.constant 0 : index
        %swap3A_400 = tpu.vector_load %arg10[%swap3A_398, %swap3A_399] {strides = array<i32>} : memref<2000x32xf32, #tpu.memory_space<vmem>>, vector<1x16xf32>,
        %swap3A_401 = vector.shape_cast %swap3A_400 : vector<1x16xf32> to vector<16xf32>
        %swap3A_402 = vector.shape_cast %mul3A_397 : vector<16xf32> to vector<1x16xf32>
        tpu.vector_store %arg10[%swap3A_398, %swap3A_399], %swap3A_402 {strides = array<i32>} : memref<2000x32xf32, #tpu.memory_space<vmem>>, vector<1x16xf32>,
        %mul3A_403 = arith.mulf %broadcast_in_dim3A_392, %get3A_3 : vector<16xf32>
        %swap3A_404 = arith.index_cast %add3A_389 : i32 to index
        %swap3A_405 = arith.constant 16 : index
        %swap3A_406 = tpu.vector_load %arg10[%swap3A_404, %swap3A_405] {strides = array<i32>} : memref<2000x32xf32, #tpu.memory_space<vmem>>, vector<1x16xf32>,
        %swap3A_407 = vector.shape_cast %swap3A_406 : vector<1x16xf32> to vector<16xf32>
        %swap3A_408 = vector.shape_cast %mul3A_403 : vector<16xf32> to vector<1x16xf32>
        tpu.vector_store %arg10[%swap3A_404, %swap3A_405], %swap3A_408 {strides = array<i32>} : memref<2000x32xf32, #tpu.memory_space<vmem>>, vector<1x16xf32>,
        %scan3A_409 = arith.constant 0 : i32
        scf.yield %scan3A_409 : i32
      }
      %scan3A_52 = arith.constant 125 : i32
      %run_scoped3A = arith.constant 0 : i32
      "tpu.region"() ({
        %run_scoped3A_69 = tpu.sem_alloc : memref<!tpu.dma_semaphore, #tpu.memory_space<semaphore_mem>>
        %dma_start3A = arith.constant 0 : i32
        %dma_start3A_70 = arith.constant 0 : i32
        %dma_start3A_71 = tpu.memref_slice %arg10[%dma_start3A, %dma_start3A_70] : memref<2000x32xf32, #tpu.memory_space<vmem>> -> memref<125x32xf32, #tpu.memory_space<vmem>>
        %dma_start3A_72 = arith.constant 0 : i32
        %dma_start3A_73 = tpu.memref_slice %arg7[%run_scoped3A, %dma_start3A_72] : memref<16x125xi32, #tpu.memory_space<vmem>> -> memref<1x125xi32, #tpu.memory_space<vmem>>
        %dma_start3A_74 = tpu.memref_squeeze %dma_start3A_73 : memref<1x125xi32, #tpu.memory_space<vmem>> -> memref<125xi32, #tpu.memory_space<vmem>>
        %dma_start3A_75 = arith.constant 0 : i32
        %dma_start3A_76 = arith.constant 0 : i32
        %dma_start3A_77 = tpu.memref_slice %arg12[%dma_start3A_75, %dma_start3A_76] : memref<10000x32xf32, #tpu.memory_space<vmem_shared>> -> memref<10000x32xf32, #tpu.memory_space<vmem_shared>>
        tpu.enqueue_indirect_dma source(%dma_start3A_71 : memref<125x32xf32, #tpu.memory_space<vmem>>) target(%dma_start3A_77 : memref<10000x32xf32, #tpu.memory_space<vmem_shared>>) offsets(%dma_start3A_74 : memref<125xi32, #tpu.memory_space<vmem>>) semaphore(%run_scoped3A_69 : memref<!tpu.dma_semaphore, #tpu.memory_space<semaphore_mem>>) {add = true}
        %dma_wait3A = arith.constant 0 : i32
        %dma_wait3A_78 = arith.constant 0 : i32
        %dma_wait3A_79 = tpu.memref_slice %arg10[%dma_wait3A, %dma_wait3A_78] : memref<2000x32xf32, #tpu.memory_space<vmem>> -> memref<125x32xf32, #tpu.memory_space<vmem>>
        %dma_wait3A_80 = arith.constant 0 : i32
        %dma_wait3A_81 = tpu.memref_slice %arg7[%run_scoped3A, %dma_wait3A_80] : memref<16x125xi32, #tpu.memory_space<vmem>> -> memref<1x125xi32, #tpu.memory_space<vmem>>
        %dma_wait3A_82 = tpu.memref_squeeze %dma_wait3A_81 : memref<1x125xi32, #tpu.memory_space<vmem>> -> memref<125xi32, #tpu.memory_space<vmem>>
        %dma_wait3A_83 = arith.constant 0 : i32
        %dma_wait3A_84 = arith.constant 0 : i32
        %dma_wait3A_85 = tpu.memref_slice %arg12[%dma_wait3A_83, %dma_wait3A_84] : memref<10000x32xf32, #tpu.memory_space<vmem_shared>> -> memref<10000x32xf32, #tpu.memory_space<vmem_shared>>
        tpu.wait_indirect_dma semaphore(%run_scoped3A_69 : memref<!tpu.dma_semaphore, #tpu.memory_space<semaphore_mem>>) src(%dma_wait3A_79 : memref<125x32xf32, #tpu.memory_space<vmem>>) dst(%dma_wait3A_85 : memref<10000x32xf32, #tpu.memory_space<vmem_shared>>)
        tpu.yield
      }) : () -> ()
      %run_scoped3A_53 = arith.constant 1 : i32
      "tpu.region"() ({
        %run_scoped3A_69 = tpu.sem_alloc : memref<!tpu.dma_semaphore, #tpu.memory_space<semaphore_mem>>
        %dma_start3A = arith.constant 125 : i32
        %dma_start3A_70 = arith.constant 0 : i32
        %dma_start3A_71 = tpu.memref_slice %arg10[%dma_start3A, %dma_start3A_70] : memref<2000x32xf32, #tpu.memory_space<vmem>> -> memref<125x32xf32, #tpu.memory_space<vmem>>
        %dma_start3A_72 = arith.constant 0 : i32
        %dma_start3A_73 = tpu.memref_slice %arg7[%run_scoped3A_53, %dma_start3A_72] : memref<16x125xi32, #tpu.memory_space<vmem>> -> memref<1x125xi32, #tpu.memory_space<vmem>>
        %dma_start3A_74 = tpu.memref_squeeze %dma_start3A_73 : memref<1x125xi32, #tpu.memory_space<vmem>> -> memref<125xi32, #tpu.memory_space<vmem>>
        %dma_start3A_75 = arith.constant 0 : i32
        %dma_start3A_76 = arith.constant 0 : i32
        %dma_start3A_77 = tpu.memref_slice %arg12[%dma_start3A_75, %dma_start3A_76] : memref<10000x32xf32, #tpu.memory_space<vmem_shared>> -> memref<10000x32xf32, #tpu.memory_space<vmem_shared>>
        tpu.enqueue_indirect_dma source(%dma_start3A_71 : memref<125x32xf32, #tpu.memory_space<vmem>>) target(%dma_start3A_77 : memref<10000x32xf32, #tpu.memory_space<vmem_shared>>) offsets(%dma_start3A_74 : memref<125xi32, #tpu.memory_space<vmem>>) semaphore(%run_scoped3A_69 : memref<!tpu.dma_semaphore, #tpu.memory_space<semaphore_mem>>) {add = true}
        %dma_wait3A = arith.constant 125 : i32
        %dma_wait3A_78 = arith.constant 0 : i32
        %dma_wait3A_79 = tpu.memref_slice %arg10[%dma_wait3A, %dma_wait3A_78] : memref<2000x32xf32, #tpu.memory_space<vmem>> -> memref<125x32xf32, #tpu.memory_space<vmem>>
        %dma_wait3A_80 = arith.constant 0 : i32
        %dma_wait3A_81 = tpu.memref_slice %arg7[%run_scoped3A_53, %dma_wait3A_80] : memref<16x125xi32, #tpu.memory_space<vmem>> -> memref<1x125xi32, #tpu.memory_space<vmem>>
        %dma_wait3A_82 = tpu.memref_squeeze %dma_wait3A_81 : memref<1x125xi32, #tpu.memory_space<vmem>> -> memref<125xi32, #tpu.memory_space<vmem>>
        %dma_wait3A_83 = arith.constant 0 : i32
        %dma_wait3A_84 = arith.constant 0 : i32
        %dma_wait3A_85 = tpu.memref_slice %arg12[%dma_wait3A_83, %dma_wait3A_84] : memref<10000x32xf32, #tpu.memory_space<vmem_shared>> -> memref<10000x32xf32, #tpu.memory_space<vmem_shared>>
        tpu.wait_indirect_dma semaphore(%run_scoped3A_69 : memref<!tpu.dma_semaphore, #tpu.memory_space<semaphore_mem>>) src(%dma_wait3A_79 : memref<125x32xf32, #tpu.memory_space<vmem>>) dst(%dma_wait3A_85 : memref<10000x32xf32, #tpu.memory_space<vmem_shared>>)
        tpu.yield
      }) : () -> ()
      %run_scoped3A_54 = arith.constant 2 : i32
      "tpu.region"() ({
        %run_scoped3A_69 = tpu.sem_alloc : memref<!tpu.dma_semaphore, #tpu.memory_space<semaphore_mem>>
        %dma_start3A = arith.constant 250 : i32
        %dma_start3A_70 = arith.constant 0 : i32
        %dma_start3A_71 = tpu.memref_slice %arg10[%dma_start3A, %dma_start3A_70] : memref<2000x32xf32, #tpu.memory_space<vmem>> -> memref<125x32xf32, #tpu.memory_space<vmem>>
        %dma_start3A_72 = arith.constant 0 : i32
        %dma_start3A_73 = tpu.memref_slice %arg7[%run_scoped3A_54, %dma_start3A_72] : memref<16x125xi32, #tpu.memory_space<vmem>> -> memref<1x125xi32, #tpu.memory_space<vmem>>
        %dma_start3A_74 = tpu.memref_squeeze %dma_start3A_73 : memref<1x125xi32, #tpu.memory_space<vmem>> -> memref<125xi32, #tpu.memory_space<vmem>>
        %dma_start3A_75 = arith.constant 0 : i32
        %dma_start3A_76 = arith.constant 0 : i32
        %dma_start3A_77 = tpu.memref_slice %arg12[%dma_start3A_75, %dma_start3A_76] : memref<10000x32xf32, #tpu.memory_space<vmem_shared>> -> memref<10000x32xf32, #tpu.memory_space<vmem_shared>>
        tpu.enqueue_indirect_dma source(%dma_start3A_71 : memref<125x32xf32, #tpu.memory_space<vmem>>) target(%dma_start3A_77 : memref<10000x32xf32, #tpu.memory_space<vmem_shared>>) offsets(%dma_start3A_74 : memref<125xi32, #tpu.memory_space<vmem>>) semaphore(%run_scoped3A_69 : memref<!tpu.dma_semaphore, #tpu.memory_space<semaphore_mem>>) {add = true}
        %dma_wait3A = arith.constant 250 : i32
        %dma_wait3A_78 = arith.constant 0 : i32
        %dma_wait3A_79 = tpu.memref_slice %arg10[%dma_wait3A, %dma_wait3A_78] : memref<2000x32xf32, #tpu.memory_space<vmem>> -> memref<125x32xf32, #tpu.memory_space<vmem>>
        %dma_wait3A_80 = arith.constant 0 : i32
        %dma_wait3A_81 = tpu.memref_slice %arg7[%run_scoped3A_54, %dma_wait3A_80] : memref<16x125xi32, #tpu.memory_space<vmem>> -> memref<1x125xi32, #tpu.memory_space<vmem>>
        %dma_wait3A_82 = tpu.memref_squeeze %dma_wait3A_81 : memref<1x125xi32, #tpu.memory_space<vmem>> -> memref<125xi32, #tpu.memory_space<vmem>>
        %dma_wait3A_83 = arith.constant 0 : i32
        %dma_wait3A_84 = arith.constant 0 : i32
        %dma_wait3A_85 = tpu.memref_slice %arg12[%dma_wait3A_83, %dma_wait3A_84] : memref<10000x32xf32, #tpu.memory_space<vmem_shared>> -> memref<10000x32xf32, #tpu.memory_space<vmem_shared>>
        tpu.wait_indirect_dma semaphore(%run_scoped3A_69 : memref<!tpu.dma_semaphore, #tpu.memory_space<semaphore_mem>>) src(%dma_wait3A_79 : memref<125x32xf32, #tpu.memory_space<vmem>>) dst(%dma_wait3A_85 : memref<10000x32xf32, #tpu.memory_space<vmem_shared>>)
        tpu.yield
      }) : () -> ()
      %run_scoped3A_55 = arith.constant 3 : i32
      "tpu.region"() ({
        %run_scoped3A_69 = tpu.sem_alloc : memref<!tpu.dma_semaphore, #tpu.memory_space<semaphore_mem>>
        %dma_start3A = arith.constant 375 : i32
        %dma_start3A_70 = arith.constant 0 : i32
        %dma_start3A_71 = tpu.memref_slice %arg10[%dma_start3A, %dma_start3A_70] : memref<2000x32xf32, #tpu.memory_space<vmem>> -> memref<125x32xf32, #tpu.memory_space<vmem>>
        %dma_start3A_72 = arith.constant 0 : i32
        %dma_start3A_73 = tpu.memref_slice %arg7[%run_scoped3A_55, %dma_start3A_72] : memref<16x125xi32, #tpu.memory_space<vmem>> -> memref<1x125xi32, #tpu.memory_space<vmem>>
        %dma_start3A_74 = tpu.memref_squeeze %dma_start3A_73 : memref<1x125xi32, #tpu.memory_space<vmem>> -> memref<125xi32, #tpu.memory_space<vmem>>
        %dma_start3A_75 = arith.constant 0 : i32
        %dma_start3A_76 = arith.constant 0 : i32
        %dma_start3A_77 = tpu.memref_slice %arg12[%dma_start3A_75, %dma_start3A_76] : memref<10000x32xf32, #tpu.memory_space<vmem_shared>> -> memref<10000x32xf32, #tpu.memory_space<vmem_shared>>
        tpu.enqueue_indirect_dma source(%dma_start3A_71 : memref<125x32xf32, #tpu.memory_space<vmem>>) target(%dma_start3A_77 : memref<10000x32xf32, #tpu.memory_space<vmem_shared>>) offsets(%dma_start3A_74 : memref<125xi32, #tpu.memory_space<vmem>>) semaphore(%run_scoped3A_69 : memref<!tpu.dma_semaphore, #tpu.memory_space<semaphore_mem>>) {add = true}
        %dma_wait3A = arith.constant 375 : i32
        %dma_wait3A_78 = arith.constant 0 : i32
        %dma_wait3A_79 = tpu.memref_slice %arg10[%dma_wait3A, %dma_wait3A_78] : memref<2000x32xf32, #tpu.memory_space<vmem>> -> memref<125x32xf32, #tpu.memory_space<vmem>>
        %dma_wait3A_80 = arith.constant 0 : i32
        %dma_wait3A_81 = tpu.memref_slice %arg7[%run_scoped3A_55, %dma_wait3A_80] : memref<16x125xi32, #tpu.memory_space<vmem>> -> memref<1x125xi32, #tpu.memory_space<vmem>>
        %dma_wait3A_82 = tpu.memref_squeeze %dma_wait3A_81 : memref<1x125xi32, #tpu.memory_space<vmem>> -> memref<125xi32, #tpu.memory_space<vmem>>
        %dma_wait3A_83 = arith.constant 0 : i32
        %dma_wait3A_84 = arith.constant 0 : i32
        %dma_wait3A_85 = tpu.memref_slice %arg12[%dma_wait3A_83, %dma_wait3A_84] : memref<10000x32xf32, #tpu.memory_space<vmem_shared>> -> memref<10000x32xf32, #tpu.memory_space<vmem_shared>>
        tpu.wait_indirect_dma semaphore(%run_scoped3A_69 : memref<!tpu.dma_semaphore, #tpu.memory_space<semaphore_mem>>) src(%dma_wait3A_79 : memref<125x32xf32, #tpu.memory_space<vmem>>) dst(%dma_wait3A_85 : memref<10000x32xf32, #tpu.memory_space<vmem_shared>>)
        tpu.yield
      }) : () -> ()
      %run_scoped3A_56 = arith.constant 4 : i32
      "tpu.region"() ({
        %run_scoped3A_69 = tpu.sem_alloc : memref<!tpu.dma_semaphore, #tpu.memory_space<semaphore_mem>>
        %dma_start3A = arith.constant 500 : i32
        %dma_start3A_70 = arith.constant 0 : i32
        %dma_start3A_71 = tpu.memref_slice %arg10[%dma_start3A, %dma_start3A_70] : memref<2000x32xf32, #tpu.memory_space<vmem>> -> memref<125x32xf32, #tpu.memory_space<vmem>>
        %dma_start3A_72 = arith.constant 0 : i32
        %dma_start3A_73 = tpu.memref_slice %arg7[%run_scoped3A_56, %dma_start3A_72] : memref<16x125xi32, #tpu.memory_space<vmem>> -> memref<1x125xi32, #tpu.memory_space<vmem>>
        %dma_start3A_74 = tpu.memref_squeeze %dma_start3A_73 : memref<1x125xi32, #tpu.memory_space<vmem>> -> memref<125xi32, #tpu.memory_space<vmem>>
        %dma_start3A_75 = arith.constant 0 : i32
        %dma_start3A_76 = arith.constant 0 : i32
        %dma_start3A_77 = tpu.memref_slice %arg12[%dma_start3A_75, %dma_start3A_76] : memref<10000x32xf32, #tpu.memory_space<vmem_shared>> -> memref<10000x32xf32, #tpu.memory_space<vmem_shared>>
        tpu.enqueue_indirect_dma source(%dma_start3A_71 : memref<125x32xf32, #tpu.memory_space<vmem>>) target(%dma_start3A_77 : memref<10000x32xf32, #tpu.memory_space<vmem_shared>>) offsets(%dma_start3A_74 : memref<125xi32, #tpu.memory_space<vmem>>) semaphore(%run_scoped3A_69 : memref<!tpu.dma_semaphore, #tpu.memory_space<semaphore_mem>>) {add = true}
        %dma_wait3A = arith.constant 500 : i32
        %dma_wait3A_78 = arith.constant 0 : i32
        %dma_wait3A_79 = tpu.memref_slice %arg10[%dma_wait3A, %dma_wait3A_78] : memref<2000x32xf32, #tpu.memory_space<vmem>> -> memref<125x32xf32, #tpu.memory_space<vmem>>
        %dma_wait3A_80 = arith.constant 0 : i32
        %dma_wait3A_81 = tpu.memref_slice %arg7[%run_scoped3A_56, %dma_wait3A_80] : memref<16x125xi32, #tpu.memory_space<vmem>> -> memref<1x125xi32, #tpu.memory_space<vmem>>
        %dma_wait3A_82 = tpu.memref_squeeze %dma_wait3A_81 : memref<1x125xi32, #tpu.memory_space<vmem>> -> memref<125xi32, #tpu.memory_space<vmem>>
        %dma_wait3A_83 = arith.constant 0 : i32
        %dma_wait3A_84 = arith.constant 0 : i32
        %dma_wait3A_85 = tpu.memref_slice %arg12[%dma_wait3A_83, %dma_wait3A_84] : memref<10000x32xf32, #tpu.memory_space<vmem_shared>> -> memref<10000x32xf32, #tpu.memory_space<vmem_shared>>
        tpu.wait_indirect_dma semaphore(%run_scoped3A_69 : memref<!tpu.dma_semaphore, #tpu.memory_space<semaphore_mem>>) src(%dma_wait3A_79 : memref<125x32xf32, #tpu.memory_space<vmem>>) dst(%dma_wait3A_85 : memref<10000x32xf32, #tpu.memory_space<vmem_shared>>)
        tpu.yield
      }) : () -> ()
      %run_scoped3A_57 = arith.constant 5 : i32
      "tpu.region"() ({
        %run_scoped3A_69 = tpu.sem_alloc : memref<!tpu.dma_semaphore, #tpu.memory_space<semaphore_mem>>
        %dma_start3A = arith.constant 625 : i32
        %dma_start3A_70 = arith.constant 0 : i32
        %dma_start3A_71 = tpu.memref_slice %arg10[%dma_start3A, %dma_start3A_70] : memref<2000x32xf32, #tpu.memory_space<vmem>> -> memref<125x32xf32, #tpu.memory_space<vmem>>
        %dma_start3A_72 = arith.constant 0 : i32
        %dma_start3A_73 = tpu.memref_slice %arg7[%run_scoped3A_57, %dma_start3A_72] : memref<16x125xi32, #tpu.memory_space<vmem>> -> memref<1x125xi32, #tpu.memory_space<vmem>>
        %dma_start3A_74 = tpu.memref_squeeze %dma_start3A_73 : memref<1x125xi32, #tpu.memory_space<vmem>> -> memref<125xi32, #tpu.memory_space<vmem>>
        %dma_start3A_75 = arith.constant 0 : i32
        %dma_start3A_76 = arith.constant 0 : i32
        %dma_start3A_77 = tpu.memref_slice %arg12[%dma_start3A_75, %dma_start3A_76] : memref<10000x32xf32, #tpu.memory_space<vmem_shared>> -> memref<10000x32xf32, #tpu.memory_space<vmem_shared>>
        tpu.enqueue_indirect_dma source(%dma_start3A_71 : memref<125x32xf32, #tpu.memory_space<vmem>>) target(%dma_start3A_77 : memref<10000x32xf32, #tpu.memory_space<vmem_shared>>) offsets(%dma_start3A_74 : memref<125xi32, #tpu.memory_space<vmem>>) semaphore(%run_scoped3A_69 : memref<!tpu.dma_semaphore, #tpu.memory_space<semaphore_mem>>) {add = true}
        %dma_wait3A = arith.constant 625 : i32
        %dma_wait3A_78 = arith.constant 0 : i32
        %dma_wait3A_79 = tpu.memref_slice %arg10[%dma_wait3A, %dma_wait3A_78] : memref<2000x32xf32, #tpu.memory_space<vmem>> -> memref<125x32xf32, #tpu.memory_space<vmem>>
        %dma_wait3A_80 = arith.constant 0 : i32
        %dma_wait3A_81 = tpu.memref_slice %arg7[%run_scoped3A_57, %dma_wait3A_80] : memref<16x125xi32, #tpu.memory_space<vmem>> -> memref<1x125xi32, #tpu.memory_space<vmem>>
        %dma_wait3A_82 = tpu.memref_squeeze %dma_wait3A_81 : memref<1x125xi32, #tpu.memory_space<vmem>> -> memref<125xi32, #tpu.memory_space<vmem>>
        %dma_wait3A_83 = arith.constant 0 : i32
        %dma_wait3A_84 = arith.constant 0 : i32
        %dma_wait3A_85 = tpu.memref_slice %arg12[%dma_wait3A_83, %dma_wait3A_84] : memref<10000x32xf32, #tpu.memory_space<vmem_shared>> -> memref<10000x32xf32, #tpu.memory_space<vmem_shared>>
        tpu.wait_indirect_dma semaphore(%run_scoped3A_69 : memref<!tpu.dma_semaphore, #tpu.memory_space<semaphore_mem>>) src(%dma_wait3A_79 : memref<125x32xf32, #tpu.memory_space<vmem>>) dst(%dma_wait3A_85 : memref<10000x32xf32, #tpu.memory_space<vmem_shared>>)
        tpu.yield
      }) : () -> ()
      %run_scoped3A_58 = arith.constant 6 : i32
      "tpu.region"() ({
        %run_scoped3A_69 = tpu.sem_alloc : memref<!tpu.dma_semaphore, #tpu.memory_space<semaphore_mem>>
        %dma_start3A = arith.constant 750 : i32
        %dma_start3A_70 = arith.constant 0 : i32
        %dma_start3A_71 = tpu.memref_slice %arg10[%dma_start3A, %dma_start3A_70] : memref<2000x32xf32, #tpu.memory_space<vmem>> -> memref<125x32xf32, #tpu.memory_space<vmem>>
        %dma_start3A_72 = arith.constant 0 : i32
        %dma_start3A_73 = tpu.memref_slice %arg7[%run_scoped3A_58, %dma_start3A_72] : memref<16x125xi32, #tpu.memory_space<vmem>> -> memref<1x125xi32, #tpu.memory_space<vmem>>
        %dma_start3A_74 = tpu.memref_squeeze %dma_start3A_73 : memref<1x125xi32, #tpu.memory_space<vmem>> -> memref<125xi32, #tpu.memory_space<vmem>>
        %dma_start3A_75 = arith.constant 0 : i32
        %dma_start3A_76 = arith.constant 0 : i32
        %dma_start3A_77 = tpu.memref_slice %arg12[%dma_start3A_75, %dma_start3A_76] : memref<10000x32xf32, #tpu.memory_space<vmem_shared>> -> memref<10000x32xf32, #tpu.memory_space<vmem_shared>>
        tpu.enqueue_indirect_dma source(%dma_start3A_71 : memref<125x32xf32, #tpu.memory_space<vmem>>) target(%dma_start3A_77 : memref<10000x32xf32, #tpu.memory_space<vmem_shared>>) offsets(%dma_start3A_74 : memref<125xi32, #tpu.memory_space<vmem>>) semaphore(%run_scoped3A_69 : memref<!tpu.dma_semaphore, #tpu.memory_space<semaphore_mem>>) {add = true}
        %dma_wait3A = arith.constant 750 : i32
        %dma_wait3A_78 = arith.constant 0 : i32
        %dma_wait3A_79 = tpu.memref_slice %arg10[%dma_wait3A, %dma_wait3A_78] : memref<2000x32xf32, #tpu.memory_space<vmem>> -> memref<125x32xf32, #tpu.memory_space<vmem>>
        %dma_wait3A_80 = arith.constant 0 : i32
        %dma_wait3A_81 = tpu.memref_slice %arg7[%run_scoped3A_58, %dma_wait3A_80] : memref<16x125xi32, #tpu.memory_space<vmem>> -> memref<1x125xi32, #tpu.memory_space<vmem>>
        %dma_wait3A_82 = tpu.memref_squeeze %dma_wait3A_81 : memref<1x125xi32, #tpu.memory_space<vmem>> -> memref<125xi32, #tpu.memory_space<vmem>>
        %dma_wait3A_83 = arith.constant 0 : i32
        %dma_wait3A_84 = arith.constant 0 : i32
        %dma_wait3A_85 = tpu.memref_slice %arg12[%dma_wait3A_83, %dma_wait3A_84] : memref<10000x32xf32, #tpu.memory_space<vmem_shared>> -> memref<10000x32xf32, #tpu.memory_space<vmem_shared>>
        tpu.wait_indirect_dma semaphore(%run_scoped3A_69 : memref<!tpu.dma_semaphore, #tpu.memory_space<semaphore_mem>>) src(%dma_wait3A_79 : memref<125x32xf32, #tpu.memory_space<vmem>>) dst(%dma_wait3A_85 : memref<10000x32xf32, #tpu.memory_space<vmem_shared>>)
        tpu.yield
      }) : () -> ()
      %run_scoped3A_59 = arith.constant 7 : i32
      "tpu.region"() ({
        %run_scoped3A_69 = tpu.sem_alloc : memref<!tpu.dma_semaphore, #tpu.memory_space<semaphore_mem>>
        %dma_start3A = arith.constant 875 : i32
        %dma_start3A_70 = arith.constant 0 : i32
        %dma_start3A_71 = tpu.memref_slice %arg10[%dma_start3A, %dma_start3A_70] : memref<2000x32xf32, #tpu.memory_space<vmem>> -> memref<125x32xf32, #tpu.memory_space<vmem>>
        %dma_start3A_72 = arith.constant 0 : i32
        %dma_start3A_73 = tpu.memref_slice %arg7[%run_scoped3A_59, %dma_start3A_72] : memref<16x125xi32, #tpu.memory_space<vmem>> -> memref<1x125xi32, #tpu.memory_space<vmem>>
        %dma_start3A_74 = tpu.memref_squeeze %dma_start3A_73 : memref<1x125xi32, #tpu.memory_space<vmem>> -> memref<125xi32, #tpu.memory_space<vmem>>
        %dma_start3A_75 = arith.constant 0 : i32
        %dma_start3A_76 = arith.constant 0 : i32
        %dma_start3A_77 = tpu.memref_slice %arg12[%dma_start3A_75, %dma_start3A_76] : memref<10000x32xf32, #tpu.memory_space<vmem_shared>> -> memref<10000x32xf32, #tpu.memory_space<vmem_shared>>
        tpu.enqueue_indirect_dma source(%dma_start3A_71 : memref<125x32xf32, #tpu.memory_space<vmem>>) target(%dma_start3A_77 : memref<10000x32xf32, #tpu.memory_space<vmem_shared>>) offsets(%dma_start3A_74 : memref<125xi32, #tpu.memory_space<vmem>>) semaphore(%run_scoped3A_69 : memref<!tpu.dma_semaphore, #tpu.memory_space<semaphore_mem>>) {add = true}
        %dma_wait3A = arith.constant 875 : i32
        %dma_wait3A_78 = arith.constant 0 : i32
        %dma_wait3A_79 = tpu.memref_slice %arg10[%dma_wait3A, %dma_wait3A_78] : memref<2000x32xf32, #tpu.memory_space<vmem>> -> memref<125x32xf32, #tpu.memory_space<vmem>>
        %dma_wait3A_80 = arith.constant 0 : i32
        %dma_wait3A_81 = tpu.memref_slice %arg7[%run_scoped3A_59, %dma_wait3A_80] : memref<16x125xi32, #tpu.memory_space<vmem>> -> memref<1x125xi32, #tpu.memory_space<vmem>>
        %dma_wait3A_82 = tpu.memref_squeeze %dma_wait3A_81 : memref<1x125xi32, #tpu.memory_space<vmem>> -> memref<125xi32, #tpu.memory_space<vmem>>
        %dma_wait3A_83 = arith.constant 0 : i32
        %dma_wait3A_84 = arith.constant 0 : i32
        %dma_wait3A_85 = tpu.memref_slice %arg12[%dma_wait3A_83, %dma_wait3A_84] : memref<10000x32xf32, #tpu.memory_space<vmem_shared>> -> memref<10000x32xf32, #tpu.memory_space<vmem_shared>>
        tpu.wait_indirect_dma semaphore(%run_scoped3A_69 : memref<!tpu.dma_semaphore, #tpu.memory_space<semaphore_mem>>) src(%dma_wait3A_79 : memref<125x32xf32, #tpu.memory_space<vmem>>) dst(%dma_wait3A_85 : memref<10000x32xf32, #tpu.memory_space<vmem_shared>>)
        tpu.yield
      }) : () -> ()
      %run_scoped3A_60 = arith.constant 8 : i32
      "tpu.region"() ({
        %run_scoped3A_69 = tpu.sem_alloc : memref<!tpu.dma_semaphore, #tpu.memory_space<semaphore_mem>>
        %dma_start3A = arith.constant 1000 : i32
        %dma_start3A_70 = arith.constant 0 : i32
        %dma_start3A_71 = tpu.memref_slice %arg10[%dma_start3A, %dma_start3A_70] : memref<2000x32xf32, #tpu.memory_space<vmem>> -> memref<125x32xf32, #tpu.memory_space<vmem>>
        %dma_start3A_72 = arith.constant 0 : i32
        %dma_start3A_73 = tpu.memref_slice %arg7[%run_scoped3A_60, %dma_start3A_72] : memref<16x125xi32, #tpu.memory_space<vmem>> -> memref<1x125xi32, #tpu.memory_space<vmem>>
        %dma_start3A_74 = tpu.memref_squeeze %dma_start3A_73 : memref<1x125xi32, #tpu.memory_space<vmem>> -> memref<125xi32, #tpu.memory_space<vmem>>
        %dma_start3A_75 = arith.constant 0 : i32
        %dma_start3A_76 = arith.constant 0 : i32
        %dma_start3A_77 = tpu.memref_slice %arg12[%dma_start3A_75, %dma_start3A_76] : memref<10000x32xf32, #tpu.memory_space<vmem_shared>> -> memref<10000x32xf32, #tpu.memory_space<vmem_shared>>
        tpu.enqueue_indirect_dma source(%dma_start3A_71 : memref<125x32xf32, #tpu.memory_space<vmem>>) target(%dma_start3A_77 : memref<10000x32xf32, #tpu.memory_space<vmem_shared>>) offsets(%dma_start3A_74 : memref<125xi32, #tpu.memory_space<vmem>>) semaphore(%run_scoped3A_69 : memref<!tpu.dma_semaphore, #tpu.memory_space<semaphore_mem>>) {add = true}
        %dma_wait3A = arith.constant 1000 : i32
        %dma_wait3A_78 = arith.constant 0 : i32
        %dma_wait3A_79 = tpu.memref_slice %arg10[%dma_wait3A, %dma_wait3A_78] : memref<2000x32xf32, #tpu.memory_space<vmem>> -> memref<125x32xf32, #tpu.memory_space<vmem>>
        %dma_wait3A_80 = arith.constant 0 : i32
        %dma_wait3A_81 = tpu.memref_slice %arg7[%run_scoped3A_60, %dma_wait3A_80] : memref<16x125xi32, #tpu.memory_space<vmem>> -> memref<1x125xi32, #tpu.memory_space<vmem>>
        %dma_wait3A_82 = tpu.memref_squeeze %dma_wait3A_81 : memref<1x125xi32, #tpu.memory_space<vmem>> -> memref<125xi32, #tpu.memory_space<vmem>>
        %dma_wait3A_83 = arith.constant 0 : i32
        %dma_wait3A_84 = arith.constant 0 : i32
        %dma_wait3A_85 = tpu.memref_slice %arg12[%dma_wait3A_83, %dma_wait3A_84] : memref<10000x32xf32, #tpu.memory_space<vmem_shared>> -> memref<10000x32xf32, #tpu.memory_space<vmem_shared>>
        tpu.wait_indirect_dma semaphore(%run_scoped3A_69 : memref<!tpu.dma_semaphore, #tpu.memory_space<semaphore_mem>>) src(%dma_wait3A_79 : memref<125x32xf32, #tpu.memory_space<vmem>>) dst(%dma_wait3A_85 : memref<10000x32xf32, #tpu.memory_space<vmem_shared>>)
        tpu.yield
      }) : () -> ()
      %run_scoped3A_61 = arith.constant 9 : i32
      "tpu.region"() ({
        %run_scoped3A_69 = tpu.sem_alloc : memref<!tpu.dma_semaphore, #tpu.memory_space<semaphore_mem>>
        %dma_start3A = arith.constant 1125 : i32
        %dma_start3A_70 = arith.constant 0 : i32
        %dma_start3A_71 = tpu.memref_slice %arg10[%dma_start3A, %dma_start3A_70] : memref<2000x32xf32, #tpu.memory_space<vmem>> -> memref<125x32xf32, #tpu.memory_space<vmem>>
        %dma_start3A_72 = arith.constant 0 : i32
        %dma_start3A_73 = tpu.memref_slice %arg7[%run_scoped3A_61, %dma_start3A_72] : memref<16x125xi32, #tpu.memory_space<vmem>> -> memref<1x125xi32, #tpu.memory_space<vmem>>
        %dma_start3A_74 = tpu.memref_squeeze %dma_start3A_73 : memref<1x125xi32, #tpu.memory_space<vmem>> -> memref<125xi32, #tpu.memory_space<vmem>>
        %dma_start3A_75 = arith.constant 0 : i32
        %dma_start3A_76 = arith.constant 0 : i32
        %dma_start3A_77 = tpu.memref_slice %arg12[%dma_start3A_75, %dma_start3A_76] : memref<10000x32xf32, #tpu.memory_space<vmem_shared>> -> memref<10000x32xf32, #tpu.memory_space<vmem_shared>>
        tpu.enqueue_indirect_dma source(%dma_start3A_71 : memref<125x32xf32, #tpu.memory_space<vmem>>) target(%dma_start3A_77 : memref<10000x32xf32, #tpu.memory_space<vmem_shared>>) offsets(%dma_start3A_74 : memref<125xi32, #tpu.memory_space<vmem>>) semaphore(%run_scoped3A_69 : memref<!tpu.dma_semaphore, #tpu.memory_space<semaphore_mem>>) {add = true}
        %dma_wait3A = arith.constant 1125 : i32
        %dma_wait3A_78 = arith.constant 0 : i32
        %dma_wait3A_79 = tpu.memref_slice %arg10[%dma_wait3A, %dma_wait3A_78] : memref<2000x32xf32, #tpu.memory_space<vmem>> -> memref<125x32xf32, #tpu.memory_space<vmem>>
        %dma_wait3A_80 = arith.constant 0 : i32
        %dma_wait3A_81 = tpu.memref_slice %arg7[%run_scoped3A_61, %dma_wait3A_80] : memref<16x125xi32, #tpu.memory_space<vmem>> -> memref<1x125xi32, #tpu.memory_space<vmem>>
        %dma_wait3A_82 = tpu.memref_squeeze %dma_wait3A_81 : memref<1x125xi32, #tpu.memory_space<vmem>> -> memref<125xi32, #tpu.memory_space<vmem>>
        %dma_wait3A_83 = arith.constant 0 : i32
        %dma_wait3A_84 = arith.constant 0 : i32
        %dma_wait3A_85 = tpu.memref_slice %arg12[%dma_wait3A_83, %dma_wait3A_84] : memref<10000x32xf32, #tpu.memory_space<vmem_shared>> -> memref<10000x32xf32, #tpu.memory_space<vmem_shared>>
        tpu.wait_indirect_dma semaphore(%run_scoped3A_69 : memref<!tpu.dma_semaphore, #tpu.memory_space<semaphore_mem>>) src(%dma_wait3A_79 : memref<125x32xf32, #tpu.memory_space<vmem>>) dst(%dma_wait3A_85 : memref<10000x32xf32, #tpu.memory_space<vmem_shared>>)
        tpu.yield
      }) : () -> ()
      %run_scoped3A_62 = arith.constant 10 : i32
      "tpu.region"() ({
        %run_scoped3A_69 = tpu.sem_alloc : memref<!tpu.dma_semaphore, #tpu.memory_space<semaphore_mem>>
        %dma_start3A = arith.constant 1250 : i32
        %dma_start3A_70 = arith.constant 0 : i32
        %dma_start3A_71 = tpu.memref_slice %arg10[%dma_start3A, %dma_start3A_70] : memref<2000x32xf32, #tpu.memory_space<vmem>> -> memref<125x32xf32, #tpu.memory_space<vmem>>
        %dma_start3A_72 = arith.constant 0 : i32
        %dma_start3A_73 = tpu.memref_slice %arg7[%run_scoped3A_62, %dma_start3A_72] : memref<16x125xi32, #tpu.memory_space<vmem>> -> memref<1x125xi32, #tpu.memory_space<vmem>>
        %dma_start3A_74 = tpu.memref_squeeze %dma_start3A_73 : memref<1x125xi32, #tpu.memory_space<vmem>> -> memref<125xi32, #tpu.memory_space<vmem>>
        %dma_start3A_75 = arith.constant 0 : i32
        %dma_start3A_76 = arith.constant 0 : i32
        %dma_start3A_77 = tpu.memref_slice %arg12[%dma_start3A_75, %dma_start3A_76] : memref<10000x32xf32, #tpu.memory_space<vmem_shared>> -> memref<10000x32xf32, #tpu.memory_space<vmem_shared>>
        tpu.enqueue_indirect_dma source(%dma_start3A_71 : memref<125x32xf32, #tpu.memory_space<vmem>>) target(%dma_start3A_77 : memref<10000x32xf32, #tpu.memory_space<vmem_shared>>) offsets(%dma_start3A_74 : memref<125xi32, #tpu.memory_space<vmem>>) semaphore(%run_scoped3A_69 : memref<!tpu.dma_semaphore, #tpu.memory_space<semaphore_mem>>) {add = true}
        %dma_wait3A = arith.constant 1250 : i32
        %dma_wait3A_78 = arith.constant 0 : i32
        %dma_wait3A_79 = tpu.memref_slice %arg10[%dma_wait3A, %dma_wait3A_78] : memref<2000x32xf32, #tpu.memory_space<vmem>> -> memref<125x32xf32, #tpu.memory_space<vmem>>
        %dma_wait3A_80 = arith.constant 0 : i32
        %dma_wait3A_81 = tpu.memref_slice %arg7[%run_scoped3A_62, %dma_wait3A_80] : memref<16x125xi32, #tpu.memory_space<vmem>> -> memref<1x125xi32, #tpu.memory_space<vmem>>
        %dma_wait3A_82 = tpu.memref_squeeze %dma_wait3A_81 : memref<1x125xi32, #tpu.memory_space<vmem>> -> memref<125xi32, #tpu.memory_space<vmem>>
        %dma_wait3A_83 = arith.constant 0 : i32
        %dma_wait3A_84 = arith.constant 0 : i32
        %dma_wait3A_85 = tpu.memref_slice %arg12[%dma_wait3A_83, %dma_wait3A_84] : memref<10000x32xf32, #tpu.memory_space<vmem_shared>> -> memref<10000x32xf32, #tpu.memory_space<vmem_shared>>
        tpu.wait_indirect_dma semaphore(%run_scoped3A_69 : memref<!tpu.dma_semaphore, #tpu.memory_space<semaphore_mem>>) src(%dma_wait3A_79 : memref<125x32xf32, #tpu.memory_space<vmem>>) dst(%dma_wait3A_85 : memref<10000x32xf32, #tpu.memory_space<vmem_shared>>)
        tpu.yield
      }) : () -> ()
      %run_scoped3A_63 = arith.constant 11 : i32
      "tpu.region"() ({
        %run_scoped3A_69 = tpu.sem_alloc : memref<!tpu.dma_semaphore, #tpu.memory_space<semaphore_mem>>
        %dma_start3A = arith.constant 1375 : i32
        %dma_start3A_70 = arith.constant 0 : i32
        %dma_start3A_71 = tpu.memref_slice %arg10[%dma_start3A, %dma_start3A_70] : memref<2000x32xf32, #tpu.memory_space<vmem>> -> memref<125x32xf32, #tpu.memory_space<vmem>>
        %dma_start3A_72 = arith.constant 0 : i32
        %dma_start3A_73 = tpu.memref_slice %arg7[%run_scoped3A_63, %dma_start3A_72] : memref<16x125xi32, #tpu.memory_space<vmem>> -> memref<1x125xi32, #tpu.memory_space<vmem>>
        %dma_start3A_74 = tpu.memref_squeeze %dma_start3A_73 : memref<1x125xi32, #tpu.memory_space<vmem>> -> memref<125xi32, #tpu.memory_space<vmem>>
        %dma_start3A_75 = arith.constant 0 : i32
        %dma_start3A_76 = arith.constant 0 : i32
        %dma_start3A_77 = tpu.memref_slice %arg12[%dma_start3A_75, %dma_start3A_76] : memref<10000x32xf32, #tpu.memory_space<vmem_shared>> -> memref<10000x32xf32, #tpu.memory_space<vmem_shared>>
        tpu.enqueue_indirect_dma source(%dma_start3A_71 : memref<125x32xf32, #tpu.memory_space<vmem>>) target(%dma_start3A_77 : memref<10000x32xf32, #tpu.memory_space<vmem_shared>>) offsets(%dma_start3A_74 : memref<125xi32, #tpu.memory_space<vmem>>) semaphore(%run_scoped3A_69 : memref<!tpu.dma_semaphore, #tpu.memory_space<semaphore_mem>>) {add = true}
        %dma_wait3A = arith.constant 1375 : i32
        %dma_wait3A_78 = arith.constant 0 : i32
        %dma_wait3A_79 = tpu.memref_slice %arg10[%dma_wait3A, %dma_wait3A_78] : memref<2000x32xf32, #tpu.memory_space<vmem>> -> memref<125x32xf32, #tpu.memory_space<vmem>>
        %dma_wait3A_80 = arith.constant 0 : i32
        %dma_wait3A_81 = tpu.memref_slice %arg7[%run_scoped3A_63, %dma_wait3A_80] : memref<16x125xi32, #tpu.memory_space<vmem>> -> memref<1x125xi32, #tpu.memory_space<vmem>>
        %dma_wait3A_82 = tpu.memref_squeeze %dma_wait3A_81 : memref<1x125xi32, #tpu.memory_space<vmem>> -> memref<125xi32, #tpu.memory_space<vmem>>
        %dma_wait3A_83 = arith.constant 0 : i32
        %dma_wait3A_84 = arith.constant 0 : i32
        %dma_wait3A_85 = tpu.memref_slice %arg12[%dma_wait3A_83, %dma_wait3A_84] : memref<10000x32xf32, #tpu.memory_space<vmem_shared>> -> memref<10000x32xf32, #tpu.memory_space<vmem_shared>>
        tpu.wait_indirect_dma semaphore(%run_scoped3A_69 : memref<!tpu.dma_semaphore, #tpu.memory_space<semaphore_mem>>) src(%dma_wait3A_79 : memref<125x32xf32, #tpu.memory_space<vmem>>) dst(%dma_wait3A_85 : memref<10000x32xf32, #tpu.memory_space<vmem_shared>>)
        tpu.yield
      }) : () -> ()
      %run_scoped3A_64 = arith.constant 12 : i32
      "tpu.region"() ({
        %run_scoped3A_69 = tpu.sem_alloc : memref<!tpu.dma_semaphore, #tpu.memory_space<semaphore_mem>>
        %dma_start3A = arith.constant 1500 : i32
        %dma_start3A_70 = arith.constant 0 : i32
        %dma_start3A_71 = tpu.memref_slice %arg10[%dma_start3A, %dma_start3A_70] : memref<2000x32xf32, #tpu.memory_space<vmem>> -> memref<125x32xf32, #tpu.memory_space<vmem>>
        %dma_start3A_72 = arith.constant 0 : i32
        %dma_start3A_73 = tpu.memref_slice %arg7[%run_scoped3A_64, %dma_start3A_72] : memref<16x125xi32, #tpu.memory_space<vmem>> -> memref<1x125xi32, #tpu.memory_space<vmem>>
        %dma_start3A_74 = tpu.memref_squeeze %dma_start3A_73 : memref<1x125xi32, #tpu.memory_space<vmem>> -> memref<125xi32, #tpu.memory_space<vmem>>
        %dma_start3A_75 = arith.constant 0 : i32
        %dma_start3A_76 = arith.constant 0 : i32
        %dma_start3A_77 = tpu.memref_slice %arg12[%dma_start3A_75, %dma_start3A_76] : memref<10000x32xf32, #tpu.memory_space<vmem_shared>> -> memref<10000x32xf32, #tpu.memory_space<vmem_shared>>
        tpu.enqueue_indirect_dma source(%dma_start3A_71 : memref<125x32xf32, #tpu.memory_space<vmem>>) target(%dma_start3A_77 : memref<10000x32xf32, #tpu.memory_space<vmem_shared>>) offsets(%dma_start3A_74 : memref<125xi32, #tpu.memory_space<vmem>>) semaphore(%run_scoped3A_69 : memref<!tpu.dma_semaphore, #tpu.memory_space<semaphore_mem>>) {add = true}
        %dma_wait3A = arith.constant 1500 : i32
        %dma_wait3A_78 = arith.constant 0 : i32
        %dma_wait3A_79 = tpu.memref_slice %arg10[%dma_wait3A, %dma_wait3A_78] : memref<2000x32xf32, #tpu.memory_space<vmem>> -> memref<125x32xf32, #tpu.memory_space<vmem>>
        %dma_wait3A_80 = arith.constant 0 : i32
        %dma_wait3A_81 = tpu.memref_slice %arg7[%run_scoped3A_64, %dma_wait3A_80] : memref<16x125xi32, #tpu.memory_space<vmem>> -> memref<1x125xi32, #tpu.memory_space<vmem>>
        %dma_wait3A_82 = tpu.memref_squeeze %dma_wait3A_81 : memref<1x125xi32, #tpu.memory_space<vmem>> -> memref<125xi32, #tpu.memory_space<vmem>>
        %dma_wait3A_83 = arith.constant 0 : i32
        %dma_wait3A_84 = arith.constant 0 : i32
        %dma_wait3A_85 = tpu.memref_slice %arg12[%dma_wait3A_83, %dma_wait3A_84] : memref<10000x32xf32, #tpu.memory_space<vmem_shared>> -> memref<10000x32xf32, #tpu.memory_space<vmem_shared>>
        tpu.wait_indirect_dma semaphore(%run_scoped3A_69 : memref<!tpu.dma_semaphore, #tpu.memory_space<semaphore_mem>>) src(%dma_wait3A_79 : memref<125x32xf32, #tpu.memory_space<vmem>>) dst(%dma_wait3A_85 : memref<10000x32xf32, #tpu.memory_space<vmem_shared>>)
        tpu.yield
      }) : () -> ()
      %run_scoped3A_65 = arith.constant 13 : i32
      "tpu.region"() ({
        %run_scoped3A_69 = tpu.sem_alloc : memref<!tpu.dma_semaphore, #tpu.memory_space<semaphore_mem>>
        %dma_start3A = arith.constant 1625 : i32
        %dma_start3A_70 = arith.constant 0 : i32
        %dma_start3A_71 = tpu.memref_slice %arg10[%dma_start3A, %dma_start3A_70] : memref<2000x32xf32, #tpu.memory_space<vmem>> -> memref<125x32xf32, #tpu.memory_space<vmem>>
        %dma_start3A_72 = arith.constant 0 : i32
        %dma_start3A_73 = tpu.memref_slice %arg7[%run_scoped3A_65, %dma_start3A_72] : memref<16x125xi32, #tpu.memory_space<vmem>> -> memref<1x125xi32, #tpu.memory_space<vmem>>
        %dma_start3A_74 = tpu.memref_squeeze %dma_start3A_73 : memref<1x125xi32, #tpu.memory_space<vmem>> -> memref<125xi32, #tpu.memory_space<vmem>>
        %dma_start3A_75 = arith.constant 0 : i32
        %dma_start3A_76 = arith.constant 0 : i32
        %dma_start3A_77 = tpu.memref_slice %arg12[%dma_start3A_75, %dma_start3A_76] : memref<10000x32xf32, #tpu.memory_space<vmem_shared>> -> memref<10000x32xf32, #tpu.memory_space<vmem_shared>>
        tpu.enqueue_indirect_dma source(%dma_start3A_71 : memref<125x32xf32, #tpu.memory_space<vmem>>) target(%dma_start3A_77 : memref<10000x32xf32, #tpu.memory_space<vmem_shared>>) offsets(%dma_start3A_74 : memref<125xi32, #tpu.memory_space<vmem>>) semaphore(%run_scoped3A_69 : memref<!tpu.dma_semaphore, #tpu.memory_space<semaphore_mem>>) {add = true}
        %dma_wait3A = arith.constant 1625 : i32
        %dma_wait3A_78 = arith.constant 0 : i32
        %dma_wait3A_79 = tpu.memref_slice %arg10[%dma_wait3A, %dma_wait3A_78] : memref<2000x32xf32, #tpu.memory_space<vmem>> -> memref<125x32xf32, #tpu.memory_space<vmem>>
        %dma_wait3A_80 = arith.constant 0 : i32
        %dma_wait3A_81 = tpu.memref_slice %arg7[%run_scoped3A_65, %dma_wait3A_80] : memref<16x125xi32, #tpu.memory_space<vmem>> -> memref<1x125xi32, #tpu.memory_space<vmem>>
        %dma_wait3A_82 = tpu.memref_squeeze %dma_wait3A_81 : memref<1x125xi32, #tpu.memory_space<vmem>> -> memref<125xi32, #tpu.memory_space<vmem>>
        %dma_wait3A_83 = arith.constant 0 : i32
        %dma_wait3A_84 = arith.constant 0 : i32
        %dma_wait3A_85 = tpu.memref_slice %arg12[%dma_wait3A_83, %dma_wait3A_84] : memref<10000x32xf32, #tpu.memory_space<vmem_shared>> -> memref<10000x32xf32, #tpu.memory_space<vmem_shared>>
        tpu.wait_indirect_dma semaphore(%run_scoped3A_69 : memref<!tpu.dma_semaphore, #tpu.memory_space<semaphore_mem>>) src(%dma_wait3A_79 : memref<125x32xf32, #tpu.memory_space<vmem>>) dst(%dma_wait3A_85 : memref<10000x32xf32, #tpu.memory_space<vmem_shared>>)
        tpu.yield
      }) : () -> ()
      %run_scoped3A_66 = arith.constant 14 : i32
      "tpu.region"() ({
        %run_scoped3A_69 = tpu.sem_alloc : memref<!tpu.dma_semaphore, #tpu.memory_space<semaphore_mem>>
        %dma_start3A = arith.constant 1750 : i32
        %dma_start3A_70 = arith.constant 0 : i32
        %dma_start3A_71 = tpu.memref_slice %arg10[%dma_start3A, %dma_start3A_70] : memref<2000x32xf32, #tpu.memory_space<vmem>> -> memref<125x32xf32, #tpu.memory_space<vmem>>
        %dma_start3A_72 = arith.constant 0 : i32
        %dma_start3A_73 = tpu.memref_slice %arg7[%run_scoped3A_66, %dma_start3A_72] : memref<16x125xi32, #tpu.memory_space<vmem>> -> memref<1x125xi32, #tpu.memory_space<vmem>>
        %dma_start3A_74 = tpu.memref_squeeze %dma_start3A_73 : memref<1x125xi32, #tpu.memory_space<vmem>> -> memref<125xi32, #tpu.memory_space<vmem>>
        %dma_start3A_75 = arith.constant 0 : i32
        %dma_start3A_76 = arith.constant 0 : i32
        %dma_start3A_77 = tpu.memref_slice %arg12[%dma_start3A_75, %dma_start3A_76] : memref<10000x32xf32, #tpu.memory_space<vmem_shared>> -> memref<10000x32xf32, #tpu.memory_space<vmem_shared>>
        tpu.enqueue_indirect_dma source(%dma_start3A_71 : memref<125x32xf32, #tpu.memory_space<vmem>>) target(%dma_start3A_77 : memref<10000x32xf32, #tpu.memory_space<vmem_shared>>) offsets(%dma_start3A_74 : memref<125xi32, #tpu.memory_space<vmem>>) semaphore(%run_scoped3A_69 : memref<!tpu.dma_semaphore, #tpu.memory_space<semaphore_mem>>) {add = true}
        %dma_wait3A = arith.constant 1750 : i32
        %dma_wait3A_78 = arith.constant 0 : i32
        %dma_wait3A_79 = tpu.memref_slice %arg10[%dma_wait3A, %dma_wait3A_78] : memref<2000x32xf32, #tpu.memory_space<vmem>> -> memref<125x32xf32, #tpu.memory_space<vmem>>
        %dma_wait3A_80 = arith.constant 0 : i32
        %dma_wait3A_81 = tpu.memref_slice %arg7[%run_scoped3A_66, %dma_wait3A_80] : memref<16x125xi32, #tpu.memory_space<vmem>> -> memref<1x125xi32, #tpu.memory_space<vmem>>
        %dma_wait3A_82 = tpu.memref_squeeze %dma_wait3A_81 : memref<1x125xi32, #tpu.memory_space<vmem>> -> memref<125xi32, #tpu.memory_space<vmem>>
        %dma_wait3A_83 = arith.constant 0 : i32
        %dma_wait3A_84 = arith.constant 0 : i32
        %dma_wait3A_85 = tpu.memref_slice %arg12[%dma_wait3A_83, %dma_wait3A_84] : memref<10000x32xf32, #tpu.memory_space<vmem_shared>> -> memref<10000x32xf32, #tpu.memory_space<vmem_shared>>
        tpu.wait_indirect_dma semaphore(%run_scoped3A_69 : memref<!tpu.dma_semaphore, #tpu.memory_space<semaphore_mem>>) src(%dma_wait3A_79 : memref<125x32xf32, #tpu.memory_space<vmem>>) dst(%dma_wait3A_85 : memref<10000x32xf32, #tpu.memory_space<vmem_shared>>)
        tpu.yield
      }) : () -> ()
      %run_scoped3A_67 = arith.constant 15 : i32
      "tpu.region"() ({
        %run_scoped3A_69 = tpu.sem_alloc : memref<!tpu.dma_semaphore, #tpu.memory_space<semaphore_mem>>
        %dma_start3A = arith.constant 1875 : i32
        %dma_start3A_70 = arith.constant 0 : i32
        %dma_start3A_71 = tpu.memref_slice %arg10[%dma_start3A, %dma_start3A_70] : memref<2000x32xf32, #tpu.memory_space<vmem>> -> memref<125x32xf32, #tpu.memory_space<vmem>>
        %dma_start3A_72 = arith.constant 0 : i32
        %dma_start3A_73 = tpu.memref_slice %arg7[%run_scoped3A_67, %dma_start3A_72] : memref<16x125xi32, #tpu.memory_space<vmem>> -> memref<1x125xi32, #tpu.memory_space<vmem>>
        %dma_start3A_74 = tpu.memref_squeeze %dma_start3A_73 : memref<1x125xi32, #tpu.memory_space<vmem>> -> memref<125xi32, #tpu.memory_space<vmem>>
        %dma_start3A_75 = arith.constant 0 : i32
        %dma_start3A_76 = arith.constant 0 : i32
        %dma_start3A_77 = tpu.memref_slice %arg12[%dma_start3A_75, %dma_start3A_76] : memref<10000x32xf32, #tpu.memory_space<vmem_shared>> -> memref<10000x32xf32, #tpu.memory_space<vmem_shared>>
        tpu.enqueue_indirect_dma source(%dma_start3A_71 : memref<125x32xf32, #tpu.memory_space<vmem>>) target(%dma_start3A_77 : memref<10000x32xf32, #tpu.memory_space<vmem_shared>>) offsets(%dma_start3A_74 : memref<125xi32, #tpu.memory_space<vmem>>) semaphore(%run_scoped3A_69 : memref<!tpu.dma_semaphore, #tpu.memory_space<semaphore_mem>>) {add = true}
        %dma_wait3A = arith.constant 1875 : i32
        %dma_wait3A_78 = arith.constant 0 : i32
        %dma_wait3A_79 = tpu.memref_slice %arg10[%dma_wait3A, %dma_wait3A_78] : memref<2000x32xf32, #tpu.memory_space<vmem>> -> memref<125x32xf32, #tpu.memory_space<vmem>>
        %dma_wait3A_80 = arith.constant 0 : i32
        %dma_wait3A_81 = tpu.memref_slice %arg7[%run_scoped3A_67, %dma_wait3A_80] : memref<16x125xi32, #tpu.memory_space<vmem>> -> memref<1x125xi32, #tpu.memory_space<vmem>>
        %dma_wait3A_82 = tpu.memref_squeeze %dma_wait3A_81 : memref<1x125xi32, #tpu.memory_space<vmem>> -> memref<125xi32, #tpu.memory_space<vmem>>
        %dma_wait3A_83 = arith.constant 0 : i32
        %dma_wait3A_84 = arith.constant 0 : i32
        %dma_wait3A_85 = tpu.memref_slice %arg12[%dma_wait3A_83, %dma_wait3A_84] : memref<10000x32xf32, #tpu.memory_space<vmem_shared>> -> memref<10000x32xf32, #tpu.memory_space<vmem_shared>>
        tpu.wait_indirect_dma semaphore(%run_scoped3A_69 : memref<!tpu.dma_semaphore, #tpu.memory_space<semaphore_mem>>) src(%dma_wait3A_79 : memref<125x32xf32, #tpu.memory_space<vmem>>) dst(%dma_wait3A_85 : memref<10000x32xf32, #tpu.memory_space<vmem_shared>>)
        tpu.yield
      }) : () -> ()
      %scan3A_68 = arith.constant 0 : i32
      scf.yield %scan3A_68 : i32
    }
    %scan3A_20 = arith.constant 5 : i32
    %barrier3A_21 = arith.constant 0 : index
    tpu.barrier barrier_id(%barrier3A_21)
    %mul3A_22 = arith.constant 624 : i32
    %mul3A_23 = arith.muli %arg1, %mul3A_22 : i32
    %mul3A_24 = arith.constant 10000 : i32
    %mul3A_25 = arith.muli %arg0, %mul3A_24 : i32
    %mul3A_26 = arith.constant 624 : i32
    %mul3A_27 = arith.muli %arg1, %mul3A_26 : i32
    %add3A_28 = arith.addi %mul3A_25, %mul3A_27 : i32
    "tpu.region"() ({
      %run_scoped3A = tpu.sem_alloc : memref<!tpu.dma_semaphore, #tpu.memory_space<semaphore_mem>>
      %dma_start3A = arith.constant 0 : i32
      %dma_start3A_34 = tpu.memref_slice %arg6[%add3A_28, %dma_start3A] : memref<20000x32xf32, #tpu.memory_space<hbm>> -> memref<624x32xf32, #tpu.memory_space<hbm>>
      %dma_start3A_35 = arith.constant 0 : i32
      %dma_start3A_36 = tpu.memref_slice %arg12[%mul3A_23, %dma_start3A_35] : memref<10000x32xf32, #tpu.memory_space<vmem_shared>> -> memref<624x32xf32, #tpu.memory_space<vmem_shared>>
      tpu.enqueue_dma source(%dma_start3A_36 : memref<624x32xf32, #tpu.memory_space<vmem_shared>>) target(%dma_start3A_34 : memref<624x32xf32, #tpu.memory_space<hbm>>) target_semaphore(%run_scoped3A : memref<!tpu.dma_semaphore, #tpu.memory_space<semaphore_mem>>)
      %dma_wait3A = arith.constant 0 : i32
      %dma_wait3A_37 = tpu.memref_slice %arg6[%add3A_28, %dma_wait3A] : memref<20000x32xf32, #tpu.memory_space<hbm>> -> memref<624x32xf32, #tpu.memory_space<hbm>>
      %dma_wait3A_38 = arith.constant 0 : i32
      %dma_wait3A_39 = tpu.memref_slice %arg12[%mul3A_23, %dma_wait3A_38] : memref<10000x32xf32, #tpu.memory_space<vmem_shared>> -> memref<624x32xf32, #tpu.memory_space<vmem_shared>>
      tpu.wait_dma2 semaphore(%run_scoped3A : memref<!tpu.dma_semaphore, #tpu.memory_space<semaphore_mem>>) src(%dma_wait3A_39 : memref<624x32xf32, #tpu.memory_space<vmem_shared>>) dst(%dma_wait3A_37 : memref<624x32xf32, #tpu.memory_space<hbm>>)
      tpu.yield
    }) : () -> ()
    %eq3A_29 = arith.constant 15 : i32
    %eq3A_30 = arith.cmpi eq, %arg1, %eq3A_29 : i32
    %convert_element_type3A_31 = arith.extui %eq3A_30 : i1 to i32
    %cond3A_32 = arith.constant 0 : i32
    %cond3A_33 = arith.cmpi ne, %convert_element_type3A_31, %cond3A_32 : i32
    scf.if %cond3A_33 {
      %mul3A_34 = arith.constant 10000 : i32
      %mul3A_35 = arith.muli %arg0, %mul3A_34 : i32
      %add3A_36 = arith.constant 9984 : i32
      %add3A_37 = arith.addi %mul3A_35, %add3A_36 : i32
      "tpu.region"() ({
        %run_scoped3A = tpu.sem_alloc : memref<!tpu.dma_semaphore, #tpu.memory_space<semaphore_mem>>
        %dma_start3A = arith.constant 0 : i32
        %dma_start3A_38 = tpu.memref_slice %arg6[%add3A_37, %dma_start3A] : memref<20000x32xf32, #tpu.memory_space<hbm>> -> memref<16x32xf32, #tpu.memory_space<hbm>>
        %dma_start3A_39 = arith.constant 9984 : i32
        %dma_start3A_40 = arith.constant 0 : i32
        %dma_start3A_41 = tpu.memref_slice %arg12[%dma_start3A_39, %dma_start3A_40] : memref<10000x32xf32, #tpu.memory_space<vmem_shared>> -> memref<16x32xf32, #tpu.memory_space<vmem_shared>>
        tpu.enqueue_dma source(%dma_start3A_41 : memref<16x32xf32, #tpu.memory_space<vmem_shared>>) target(%dma_start3A_38 : memref<16x32xf32, #tpu.memory_space<hbm>>) target_semaphore(%run_scoped3A : memref<!tpu.dma_semaphore, #tpu.memory_space<semaphore_mem>>)
        %dma_wait3A = arith.constant 0 : i32
        %dma_wait3A_42 = tpu.memref_slice %arg6[%add3A_37, %dma_wait3A] : memref<20000x32xf32, #tpu.memory_space<hbm>> -> memref<16x32xf32, #tpu.memory_space<hbm>>
        %dma_wait3A_43 = arith.constant 9984 : i32
        %dma_wait3A_44 = arith.constant 0 : i32
        %dma_wait3A_45 = tpu.memref_slice %arg12[%dma_wait3A_43, %dma_wait3A_44] : memref<10000x32xf32, #tpu.memory_space<vmem_shared>> -> memref<16x32xf32, #tpu.memory_space<vmem_shared>>
        tpu.wait_dma2 semaphore(%run_scoped3A : memref<!tpu.dma_semaphore, #tpu.memory_space<semaphore_mem>>) src(%dma_wait3A_45 : memref<16x32xf32, #tpu.memory_space<vmem_shared>>) dst(%dma_wait3A_42 : memref<16x32xf32, #tpu.memory_space<hbm>>)
        tpu.yield
      }) : () -> ()
    } else {
    }
    return
  }
}

module attributes {stable_mosaic.version = 14 : i64} {
  func.func @_tc_body(%arg0: i32, %arg1: memref<1000x32xf32, #tpu.memory_space<vmem>>, %arg2: memref<1000x32xf32, #tpu.memory_space<vmem>>, %arg3: memref<1000x128xf32, #tpu.memory_space<vmem>>, %arg4: memref<16x128xf32, #tpu.memory_space<vmem>>, %arg5: memref<1x128xf32, #tpu.memory_space<vmem>>, %arg6: memref<128x384xf32, #tpu.memory_space<vmem>>, %arg7: memref<128x384xf32, #tpu.memory_space<vmem>>, %arg8: memref<1x384xf32, #tpu.memory_space<vmem>>, %arg9: memref<1x384xf32, #tpu.memory_space<vmem>>, %arg10: memref<1000x128xf32, #tpu.memory_space<vmem>>) attributes {dimension_semantics = [#tpu.dimension_semantics<arbitrary>], iteration_bounds = array<i64: 10>, scalar_prefetch = 0 : i64, scratch_operands = 0 : i64, tpu.core_type = #tpu.core_type<tc>, window_params = [{transform_indices = @transform_0, window_bounds = array<i64: 1000, 32>}, {transform_indices = @transform_1, window_bounds = array<i64: 1000, 32>}, {transform_indices = @transform_2, window_bounds = array<i64: 1000, 128>}, {pipeline_mode = #tpu.pipeline_mode<synchronous>, transform_indices = @transform_3, window_bounds = array<i64: 16, 128>}, {pipeline_mode = #tpu.pipeline_mode<synchronous>, transform_indices = @transform_4, window_bounds = array<i64: 1, 128>}, {pipeline_mode = #tpu.pipeline_mode<synchronous>, transform_indices = @transform_5, window_bounds = array<i64: 128, 384>}, {pipeline_mode = #tpu.pipeline_mode<synchronous>, transform_indices = @transform_6, window_bounds = array<i64: 128, 384>}, {pipeline_mode = #tpu.pipeline_mode<synchronous>, transform_indices = @transform_7, window_bounds = array<i64: 1, 384>}, {pipeline_mode = #tpu.pipeline_mode<synchronous>, transform_indices = @transform_8, window_bounds = array<i64: 1, 384>}, {transform_indices = @transform_9, window_bounds = array<i64: 1000, 128>}]} {
    %get3A = arith.constant 0 : index
    %get3A_0 = arith.constant 0 : index
    %get3A_1 = vector.load %arg1[%get3A, %get3A_0] : memref<1000x32xf32, #tpu.memory_space<vmem>>, vector<1000x32xf32>
    %get3A_2 = arith.constant 0 : index
    %get3A_3 = arith.constant 0 : index
    %get3A_4 = vector.load %arg2[%get3A_2, %get3A_3] : memref<1000x32xf32, #tpu.memory_space<vmem>>, vector<1000x32xf32>
    %add3A = arith.addf %get3A_1, %get3A_4 : vector<1000x32xf32>
    %slice3A = vector.extract_strided_slice %add3A {offsets = [0, 16], sizes = [1000, 1], strides = [1, 1]} : vector<1000x32xf32> to vector<1000x1xf32>
    %gt3A = arith.constant 0.000000e+00 : f32
    %gt3A_5 = vector.broadcast %gt3A : f32 to vector<1000x1xf32>
    %gt3A_6 = arith.cmpf ogt, %slice3A, %gt3A_5 : vector<1000x1xf32>
    %convert_element_type3A = arith.extui %gt3A_6 : vector<1000x1xi1> to vector<1000x1xi32>
    %convert_element_type3A_7 = arith.sitofp %convert_element_type3A : vector<1000x1xi32> to vector<1000x1xf32>
    %jit3A = arith.constant 1.000000e+00 : f32
    %broadcast_in_dim3A = vector.broadcast %jit3A : f32 to vector<1000x1xf32>
    %select_n3A = arith.select %gt3A_6, %slice3A, %broadcast_in_dim3A : vector<1000x1xi1>, vector<1000x1xf32>
    %div3A = arith.divf %convert_element_type3A_7, %select_n3A : vector<1000x1xf32>
    %slice3A_8 = vector.extract_strided_slice %add3A {offsets = [0, 0], sizes = [1000, 16], strides = [1, 1]} : vector<1000x32xf32> to vector<1000x16xf32>
    %mul3A = vector.broadcast %div3A : vector<1000x1xf32> to vector<1000x16xf32>
    %mul3A_9 = arith.mulf %slice3A_8, %mul3A : vector<1000x16xf32>
    %get3A_10 = arith.constant 0 : index
    %get3A_11 = arith.constant 0 : index
    %get3A_12 = vector.load %arg4[%get3A_10, %get3A_11] : memref<16x128xf32, #tpu.memory_space<vmem>>, vector<16x128xf32>
    %dot_general3A = arith.constant dense<0.000000e+00> : vector<1000x128xf32>
    %dot_general3A_13 = tpu.matmul %mul3A_9, %get3A_12, %dot_general3A {dimension_numbers = #tpu.dot_dimension_numbers<[1], [0], [0], [1], [0, 0, 1, 1], [], []>, transpose_lhs_hint = false} : vector<1000x16xf32>, vector<16x128xf32>, vector<1000x128xf32> -> vector<1000x128xf32>
    %get3A_14 = arith.constant 0 : index
    %get3A_15 = arith.constant 0 : index
    %get3A_16 = vector.load %arg5[%get3A_14, %get3A_15] : memref<1x128xf32, #tpu.memory_space<vmem>>, vector<1x128xf32>
    %mul3A_17 = vector.broadcast %convert_element_type3A_7 : vector<1000x1xf32> to vector<1000x128xf32>
    %mul3A_18 = vector.broadcast %get3A_16 : vector<1x128xf32> to vector<1000x128xf32>
    %mul3A_19 = arith.mulf %mul3A_17, %mul3A_18 : vector<1000x128xf32>
    %add3A_20 = arith.addf %dot_general3A_13, %mul3A_19 : vector<1000x128xf32>
    %gt3A_21 = arith.constant 0.000000e+00 : f32
    %gt3A_22 = vector.broadcast %gt3A_21 : f32 to vector<1000x128xf32>
    %gt3A_23 = arith.cmpf ogt, %add3A_20, %gt3A_22 : vector<1000x128xf32>
    %exp3A = math.exp %add3A_20 : vector<1000x128xf32>
    %sub3A = arith.constant 1.000000e+00 : f32
    %sub3A_24 = vector.broadcast %sub3A : f32 to vector<1000x128xf32>
    %sub3A_25 = arith.subf %exp3A, %sub3A_24 : vector<1000x128xf32>
    %select_n3A_26 = arith.select %gt3A_23, %add3A_20, %sub3A_25 : vector<1000x128xi1>, vector<1000x128xf32>
    %get3A_27 = arith.constant 0 : index
    %get3A_28 = arith.constant 0 : index
    %get3A_29 = vector.load %arg6[%get3A_27, %get3A_28] : memref<128x384xf32, #tpu.memory_space<vmem>>, vector<128x384xf32>
    %dot_general3A_30 = arith.constant dense<0.000000e+00> : vector<1000x384xf32>
    %dot_general3A_31 = tpu.matmul %select_n3A_26, %get3A_29, %dot_general3A_30 {dimension_numbers = #tpu.dot_dimension_numbers<[1], [0], [0], [1], [0, 0, 1, 1], [], []>, transpose_lhs_hint = false} : vector<1000x128xf32>, vector<128x384xf32>, vector<1000x384xf32> -> vector<1000x384xf32>
    %get3A_32 = arith.constant 0 : index
    %get3A_33 = arith.constant 0 : index
    %get3A_34 = vector.load %arg8[%get3A_32, %get3A_33] : memref<1x384xf32, #tpu.memory_space<vmem>>, vector<1x384xf32>
    %add3A_35 = vector.broadcast %get3A_34 : vector<1x384xf32> to vector<1000x384xf32>
    %add3A_36 = arith.addf %dot_general3A_31, %add3A_35 : vector<1000x384xf32>
    %get3A_37 = arith.constant 0 : index
    %get3A_38 = arith.constant 0 : index
    %get3A_39 = vector.load %arg3[%get3A_37, %get3A_38] : memref<1000x128xf32, #tpu.memory_space<vmem>>, vector<1000x128xf32>
    %get3A_40 = arith.constant 0 : index
    %get3A_41 = arith.constant 0 : index
    %get3A_42 = vector.load %arg7[%get3A_40, %get3A_41] : memref<128x384xf32, #tpu.memory_space<vmem>>, vector<128x384xf32>
    %dot_general3A_43 = arith.constant dense<0.000000e+00> : vector<1000x384xf32>
    %dot_general3A_44 = tpu.matmul %get3A_39, %get3A_42, %dot_general3A_43 {dimension_numbers = #tpu.dot_dimension_numbers<[1], [0], [0], [1], [0, 0, 1, 1], [], []>, transpose_lhs_hint = false} : vector<1000x128xf32>, vector<128x384xf32>, vector<1000x384xf32> -> vector<1000x384xf32>
    %get3A_45 = arith.constant 0 : index
    %get3A_46 = arith.constant 0 : index
    %get3A_47 = vector.load %arg9[%get3A_45, %get3A_46] : memref<1x384xf32, #tpu.memory_space<vmem>>, vector<1x384xf32>
    %add3A_48 = vector.broadcast %get3A_47 : vector<1x384xf32> to vector<1000x384xf32>
    %add3A_49 = arith.addf %dot_general3A_44, %add3A_48 : vector<1000x384xf32>
    %slice3A_50 = vector.extract_strided_slice %add3A_36 {offsets = [0, 0], sizes = [1000, 128], strides = [1, 1]} : vector<1000x384xf32> to vector<1000x128xf32>
    %slice3A_51 = vector.extract_strided_slice %add3A_49 {offsets = [0, 0], sizes = [1000, 128], strides = [1, 1]} : vector<1000x384xf32> to vector<1000x128xf32>
    %add3A_52 = arith.addf %slice3A_50, %slice3A_51 : vector<1000x128xf32>
    %logistic3A = arith.negf %add3A_52 : vector<1000x128xf32>
    %logistic3A_53 = math.exp %logistic3A : vector<1000x128xf32>
    %logistic3A_54 = arith.constant 1.000000e+00 : f32
    %logistic3A_55 = vector.broadcast %logistic3A_54 : f32 to vector<1000x128xf32>
    %logistic3A_56 = arith.addf %logistic3A_55, %logistic3A_53 : vector<1000x128xf32>
    %logistic3A_57 = arith.divf %logistic3A_55, %logistic3A_56 : vector<1000x128xf32>
    %slice3A_58 = vector.extract_strided_slice %add3A_36 {offsets = [0, 128], sizes = [1000, 128], strides = [1, 1]} : vector<1000x384xf32> to vector<1000x128xf32>
    %slice3A_59 = vector.extract_strided_slice %add3A_49 {offsets = [0, 128], sizes = [1000, 128], strides = [1, 1]} : vector<1000x384xf32> to vector<1000x128xf32>
    %add3A_60 = arith.addf %slice3A_58, %slice3A_59 : vector<1000x128xf32>
    %logistic3A_61 = arith.negf %add3A_60 : vector<1000x128xf32>
    %logistic3A_62 = math.exp %logistic3A_61 : vector<1000x128xf32>
    %logistic3A_63 = arith.constant 1.000000e+00 : f32
    %logistic3A_64 = vector.broadcast %logistic3A_63 : f32 to vector<1000x128xf32>
    %logistic3A_65 = arith.addf %logistic3A_64, %logistic3A_62 : vector<1000x128xf32>
    %logistic3A_66 = arith.divf %logistic3A_64, %logistic3A_65 : vector<1000x128xf32>
    %slice3A_67 = vector.extract_strided_slice %add3A_36 {offsets = [0, 256], sizes = [1000, 128], strides = [1, 1]} : vector<1000x384xf32> to vector<1000x128xf32>
    %slice3A_68 = vector.extract_strided_slice %add3A_49 {offsets = [0, 256], sizes = [1000, 128], strides = [1, 1]} : vector<1000x384xf32> to vector<1000x128xf32>
    %mul3A_69 = arith.mulf %logistic3A_57, %slice3A_68 : vector<1000x128xf32>
    %add3A_70 = arith.addf %slice3A_67, %mul3A_69 : vector<1000x128xf32>
    %tanh3A = math.tanh %add3A_70 : vector<1000x128xf32>
    %sub3A_71 = arith.constant 1.000000e+00 : f32
    %sub3A_72 = vector.broadcast %sub3A_71 : f32 to vector<1000x128xf32>
    %sub3A_73 = arith.subf %sub3A_72, %logistic3A_66 : vector<1000x128xf32>
    %mul3A_74 = arith.mulf %sub3A_73, %tanh3A : vector<1000x128xf32>
    %get3A_75 = arith.constant 0 : index
    %get3A_76 = arith.constant 0 : index
    %get3A_77 = vector.load %arg3[%get3A_75, %get3A_76] : memref<1000x128xf32, #tpu.memory_space<vmem>>, vector<1000x128xf32>
    %mul3A_78 = arith.mulf %logistic3A_66, %get3A_77 : vector<1000x128xf32>
    %add3A_79 = arith.addf %mul3A_74, %mul3A_78 : vector<1000x128xf32>
    %max3A = arith.constant 0.000000e+00 : f32
    %max3A_80 = vector.broadcast %max3A : f32 to vector<1000x128xf32>
    %max3A_81 = arith.maximumf %add3A_79, %max3A_80 : vector<1000x128xf32>
    %swap3A = arith.constant 0 : index
    %swap3A_82 = arith.constant 0 : index
    %swap3A_83 = vector.load %arg10[%swap3A, %swap3A_82] : memref<1000x128xf32, #tpu.memory_space<vmem>>, vector<1000x128xf32>
    tpu.vector_store %arg10[%swap3A, %swap3A_82], %max3A_81 {strides = array<i32>} : memref<1000x128xf32, #tpu.memory_space<vmem>>, vector<1000x128xf32>,
    return
  }
  func.func @transform_0(%arg0: i32) -> (i32, i32) {
    %c0_i32 = arith.constant 0 : i32
    %c0_i32_0 = arith.constant 0 : i32
    return %arg0, %c0_i32 : i32, i32
  }
  func.func @transform_1(%arg0: i32) -> (i32, i32) {
    %add3A = arith.constant 10 : i32
    %add3A_0 = arith.addi %arg0, %add3A : i32
    %c0_i32 = arith.constant 0 : i32
    %c0_i32_1 = arith.constant 0 : i32
    return %add3A_0, %c0_i32 : i32, i32
  }
  func.func @transform_2(%arg0: i32) -> (i32, i32) {
    %c0_i32 = arith.constant 0 : i32
    %c0_i32_0 = arith.constant 0 : i32
    return %arg0, %c0_i32 : i32, i32
  }
  func.func @transform_3(%arg0: i32) -> (i32, i32) {
    %c0_i32 = arith.constant 0 : i32
    %c0_i32_0 = arith.constant 0 : i32
    %c0_i32_1 = arith.constant 0 : i32
    return %c0_i32, %c0_i32_0 : i32, i32
  }
  func.func @transform_4(%arg0: i32) -> (i32, i32) {
    %c0_i32 = arith.constant 0 : i32
    %c0_i32_0 = arith.constant 0 : i32
    %c0_i32_1 = arith.constant 0 : i32
    return %c0_i32, %c0_i32_0 : i32, i32
  }
  func.func @transform_5(%arg0: i32) -> (i32, i32) {
    %c0_i32 = arith.constant 0 : i32
    %c0_i32_0 = arith.constant 0 : i32
    %c0_i32_1 = arith.constant 0 : i32
    return %c0_i32, %c0_i32_0 : i32, i32
  }
  func.func @transform_6(%arg0: i32) -> (i32, i32) {
    %c0_i32 = arith.constant 0 : i32
    %c0_i32_0 = arith.constant 0 : i32
    %c0_i32_1 = arith.constant 0 : i32
    return %c0_i32, %c0_i32_0 : i32, i32
  }
  func.func @transform_7(%arg0: i32) -> (i32, i32) {
    %c0_i32 = arith.constant 0 : i32
    %c0_i32_0 = arith.constant 0 : i32
    %c0_i32_1 = arith.constant 0 : i32
    return %c0_i32, %c0_i32_0 : i32, i32
  }
  func.func @transform_8(%arg0: i32) -> (i32, i32) {
    %c0_i32 = arith.constant 0 : i32
    %c0_i32_0 = arith.constant 0 : i32
    %c0_i32_1 = arith.constant 0 : i32
    return %c0_i32, %c0_i32_0 : i32, i32
  }
  func.func @transform_9(%arg0: i32) -> (i32, i32) {
    %c0_i32 = arith.constant 0 : i32
    %c0_i32_0 = arith.constant 0 : i32
    return %arg0, %c0_i32 : i32, i32
  }
}

</mosaic_0001>

<sc_bundles>
// kernel: kernel.4.cloned.1.call-start
scs
__scs_entry_jumppad:
0x0: {  	(pc) =	sbr.rel $0x88, $3  }
0x1: {  	(tag) =	ssettag $0x0;
	lr =	simm.s32 $0x1  }
0x2: {  	[smem:$0x3F97] =	sst lr;
	_ =	strace $0xD0000000  }
0x3: {  	_ = 	snop  }
0x4: {  	_ = 	snop  }
0x5: {  	_ = 	snop  }
0x6: {  	_ = 	snop  }
0x7: {  	_ = 	snop  }
__scs_overlays_trampoline_lowered:
0x8: {  	[smem:$0x3FA6] =	sst s0  }
0x9: {  	[smem:$0x3FA7] =	sst s1  }
0xa: {  	[smem:$0x3FA8] =	sst s2  }
0xb: {  	[smem:$0x3FA9] =	sst s3  }
0xc: {  	[smem:$0x3FAA] =	sst s4  }
0xd: {  	[smem:$0x3FAB] =	sst s5  }
0xe: {  	[smem:$0x3FAC] =	sst s6  }
0xf: {  	[smem:$0x3FAD] =	sst s7  }
0x10: {  	[smem:$0x3FAE] =	sst s8  }
0x11: {  	[smem:$0x3FAF] =	sst s9;
	s0 =	simm.s32 @!p0 $0x0  }
0x12: {  	s1 =	sld [smem:$0x3F95];
	s0 =	simm.s32 @p0 $0x1  }
0x13: {  	[smem:$0x3FB0] =	sst s0;
	s0 =	simm.s32 @!p1 $0x0  }
0x14: {  	s2 =	sld [smem:$0x3F94];
	s0 =	simm.s32 @p1 $0x1  }
0x15: {  	[smem:$0x3FB1] =	sst s0;
	s0 =	simm.s32 @!p2 $0x0  }
0x16: {  	s3 =	sld [smem:$0x3FDB];
	s0 =	simm.s32 @p2 $0x1  }
0x17: {  	s4 =	simm.s32 $0x1BF5;
	[smem:$0x3FB3] =	sst s0  }
0x18: {  	s0 =	sld [smem:$0x3F96];
	_ =	swait.ge [sflag:s4], $0x0  }
0x19: {  	s7 =	sld [smem:$0x3F97]  }
0x1a: {  	s8 =	sadd.s32 $0xFFFFE003, lr  }
0x1b: {  	s9 =	sadd.s32 $0xFFFFFEF7, lr;
	s5 =	simm.s32 $0xFFFFFFFF;
	p2 =	slt.u32 s8, $0xFFFFF086  }
0x1c: {  	p1 =	slt.u32 s9, $0xF7A;
	s5 =	simm.s32 @!p2 $0x0  }
0x1d: {  	s5 =	simm.s32 @p1 $0x1;
	p0 =	seq.s32 s7, s2  }
0x1e: {  	s7 =	smul.u32 @!p0 $0xF7A, s2;
	p2 =	seq.s32 @!p0 s5, $0x0  }
0x1f: {  	s9 =	smul.u32 $0xF7A, s1;
	s8 =	simm.s32 @!p0 $0x1BF5;
	p2 =	por !p2, p0  }
0x20: {  	[sflag:s8] =	ssyncset.s32 @!p0 $0xFFFFF086;
	s6 =	sadd.s32 @!p0 s3, s7;
	s7 =	simm.s32 @!p0 $0x108  }
0x21: {  	s3 =	sadd.s32 s3, s9;
	s6 =	sadd.s32 @!p0 $0x88, s6;
	s7 =	simm.s32 @p2 $0x1082  }
0x22: {  	[simem:s7], [sflag:s8] =	dma.local @!p0 [hbm:s6], $0xF7A  }
0x23: {  	s9 =	sor.u32 $0xD0000000, s2;
	s6 =	simm.s32 $0x108;
	_ =	swait.ge @!p0 [sflag:s8], $0x0  }
0x24: {  	s3 =	sadd.s32 $0x88, s3;
	s6 =	simm.s32 @!p1 $0x1082;
	[sflag:s4] =	ssyncset.s32 $0xFFFFF086  }
0x25: {  	[simem:s6], [sflag:s4] =	dma.local [hbm:s3], $0xF7A  }
0x26: {  	[smem:$0x3F97] =	sst s1;
	(tag) =	ssettag s2;
	_ =	strace s9  }
0x27: {  	s1 =	sld [smem:$0x3FA7]  }
0x28: {  	s2 =	sld [smem:$0x3FA8]  }
0x29: {  	s4 =	sld [smem:$0x3FAA]  }
0x2a: {  	p0 =	seq.s32 s5, $0x0;
	s5 =	sld [smem:$0x3FAB]  }
0x2b: {  	s6 =	sld [smem:$0x3FAC]  }
0x2c: {  	s7 =	sld [smem:$0x3FAD]  }
0x2d: {  	s3 =	simm.s32 $0x108;
	s8 =	sld [smem:$0x3FAE]  }
0x2e: {  	s3 =	simm.s32 @!p0 $0x1082;
	s9 =	sld [smem:$0x3FAF]  }
0x2f: {  	lr =	sadd.s32 s0, s3;
	s0 =	sld [smem:$0x3FA6]  }
0x30: {  	s3 =	sld [smem:$0x3FA9]  }
0x31: {  	[smem:$0x3FB2] =	sst s10  }
0x32: {  	s10 =	sld [smem:$0x3FB0];
	_ =	sdelay $0x3  }
0x33: {  	p0 =	seq.s32 s10, $0x1;
	s10 =	sld [smem:$0x3FB2];
	_ =	sdelay $0x3  }
0x34: {  	[smem:$0x3FB2] =	sst s10  }
0x35: {  	s10 =	sld [smem:$0x3FB1];
	_ =	sdelay $0x3  }
0x36: {  	p1 =	seq.s32 s10, $0x1;
	s10 =	sld [smem:$0x3FB2];
	_ =	sdelay $0x3  }
0x37: {  	[smem:$0x3FB2] =	sst s10  }
0x38: {  	s10 =	sld [smem:$0x3FB3]  }
0x39: {  	_ = 	snop;
	(pc) =	sbr.ind lr, $3  }
0x3a: {  	_ = 	snop  }
0x3b: {  	_ = 	snop  }
0x3c: {  	p2 =	seq.s32 s10, $0x1;
	s10 =	sld [smem:$0x3FB2]  }
0x3d: {  	_ =	shalt  }
0x3e: {  	_ =	shalt  }
0x3f: {  	_ =	shalt  }
0x40: {  	_ =	shalt  }
0x41: {  	_ =	shalt  }
0x42: {  	_ =	shalt  }
0x43: {  	_ =	shalt  }
0x44: {  	_ =	shalt  }
0x45: {  	_ =	shalt  }
0x46: {  	_ =	shalt  }
0x47: {  	_ =	shalt  }
0x48: {  	_ =	shalt  }
0x49: {  	_ =	shalt  }
0x4a: {  	_ =	shalt  }
0x4b: {  	_ =	shalt  }
0x4c: {  	_ =	shalt  }
0x4d: {  	_ =	shalt  }
0x4e: {  	_ =	shalt  }
0x4f: {  	_ =	shalt  }
0x50: {  	_ =	shalt  }
0x51: {  	_ =	shalt  }
0x52: {  	_ =	shalt  }
0x53: {  	_ =	shalt  }
0x54: {  	_ =	shalt  }
0x55: {  	_ =	shalt  }
0x56: {  	_ =	shalt  }
0x57: {  	_ =	shalt  }
0x58: {  	_ =	shalt  }
0x59: {  	_ =	shalt  }
0x5a: {  	_ =	shalt  }
0x5b: {  	_ =	shalt  }
0x5c: {  	_ =	shalt  }
0x5d: {  	_ =	shalt  }
0x5e: {  	_ =	shalt  }
0x5f: {  	_ =	shalt  }
0x60: {  	_ =	shalt  }
0x61: {  	_ =	shalt  }
0x62: {  	_ =	shalt  }
0x63: {  	_ =	shalt  }
0x64: {  	_ =	shalt  }
0x65: {  	_ =	shalt  }
0x66: {  	_ =	shalt  }
0x67: {  	_ =	shalt  }
0x68: {  	_ =	shalt  }
0x69: {  	_ =	shalt  }
0x6a: {  	_ =	shalt  }
0x6b: {  	_ =	shalt  }
0x6c: {  	_ =	shalt  }
0x6d: {  	_ =	shalt  }
0x6e: {  	_ =	shalt  }
0x6f: {  	_ =	shalt  }
0x70: {  	_ =	shalt  }
0x71: {  	_ =	shalt  }
0x72: {  	_ =	shalt  }
0x73: {  	_ =	shalt  }
0x74: {  	_ =	shalt  }
0x75: {  	_ =	shalt  }
0x76: {  	_ =	shalt  }
0x77: {  	_ =	shalt  }
0x78: {  	_ =	shalt  }
0x79: {  	_ =	shalt  }
0x7a: {  	_ =	shalt  }
0x7b: {  	_ =	shalt  }
0x7c: {  	_ =	shalt  }
0x7d: {  	_ =	shalt  }
0x7e: {  	_ =	shalt  }
0x7f: {  	_ =	shalt  }
0x80: {  	_ =	shalt  }
0x81: {  	_ =	shalt  }
0x82: {  	_ =	shalt  }
0x83: {  	_ =	shalt  }
0x84: {  	_ =	shalt  }
0x85: {  	_ =	shalt  }
0x86: {  	_ =	shalt  }
0x87: {  	_ =	shalt  }
.Lfunc_end0:
.L_simem_size_0:
called_computation_lowered:
.L_overlay_start_0:
0x88: {  	s2 =	sld [smem:$0x3FD9]  }
0x89: {  	s3 =	sld [smem:$0x3FFE];
	_ =	sdelay $0x1  }
0x8a: {  	s1 =	srdreg.scid  }
0x8b: {  	s0 =	sand.u32 $0x1, s1  }
0x8c: {  	s17 =	sshll.u32 s0, $0xA;
	s2 =	sadd.s32 s3, s2  }
0x8d: {  	s2 =	sadd.s32 s2, s17  }
0x8e: {  	[smem:$0x3FBE] =	sst s2  }
0x8f: {  	_ = 	snop  }
0x90: {  	s2 =	sld [smem:$0x3FD0];
	(tm) =	ssettm $0x1  }
0x91: {  	s18 =	sld [smem:$0x3FFB];
	_ =	sdelay $0x3  }
0x92: {  	_ =	strace s18  }
0x93: {  	s3 =	sld [smem:$0x3FFC];
	_ =	sdelay $0x3  }
0x94: {  	_ =	strace s3  }
0x95: {  	s3 =	sld [smem:$0x3FFD];
	_ =	sdelay $0x3  }
0x96: {  	_ =	strace s3  }
0x97: {  	_ =	strace $0x8FFFFFFF  }
0x98: {  	s19 =	sld [smem:$0x3FDB];
	_ =	sdelay $0x1  }
0x99: {  	s4 =	simm.s32 $_scs_section_size  }
0x9a: {  	s5 =	simm.s32 $_size__tile_overlayer_lowered;
	s6 =	simm.s32 $_tile_overlayer_lowered  }
0x9b: {  	s22 =	simm.s32 $0x1BFF;
	s21 =	sshll.u32 s6, $0x1;
	s3 =	sadd.s32 s4, s19  }
0x9c: {  	s7 =	simm.s32 $0x0;
	s20 =	sshll.u32 s5, $0x1;
	s5 =	sadd.s32 s21, s3  }
0x9d: {  	[timem:s7], [sflag:s22] =	dma.local [hbm:s5], s20  }
0x9e: {  	_ =	swait.ge [sflag:s22], s20  }
0x9f: {  	s4 =	ssub.s32 $0x0, s20;
	[sflag:s22] =	ssyncset.done $0x0  }
0xa0: {  	[sflag:s22] =	ssyncadd.s32 s4;
	_ =	sdelay $0x1  }
0xa1: {  	s23 =	simm.s32 $0x1B8B  }
0xa2: {  	_ =	swait.ge [sflag:s23], $0x1  }
0xa3: {  	[sflag:s23] =	ssyncset.done $0x0  }
0xa4: {  	s25 =	simm.s32 $0x1B8E;
	s24 =	sld [smem:$0x3FFE];
	[sflag:s23] =	ssyncadd.s32 $0xFFFFFFFF  }
0xa5: {  	s26 =	simm.s32 $execute0_lowered;
	[smem:$0x3FD2] =	sst s25  }
0xa6: {  	s5 =	sshll.u32 s26, $0x1;
	_ =	strace $0x80000046;
	[dreg:$0x1] =	wrdreg $0xFFFFFFFF  }
0xa7: {  	s28 =	simm.s32 $_size_execute0_lowered;
	s3 =	sadd.s32 s3, s5;
	[dreg:$0x0] =	wrdreg $0x0  }
0xa8: {  	s5 =	sshll.u32 s28, $0x1;
	[dreg:$0x2] =	wrdreg s3  }
0xa9: {  	[dreg:$0x3] =	wrdreg s5  }
0xaa: {  	[dreg:$0x4] =	wrdreg $0xC0  }
0xab: {  	_ =	task [dreg:s7], $0x5FFFF  }
0xac: {  	[dreg:$0x1] =	wrdreg $0xFFFFFFFF  }
0xad: {  	[dreg:$0x0] =	wrdreg $0x60  }
0xae: {  	[dreg:$0x2] =	wrdreg s24  }
0xaf: {  	[dreg:$0x3] =	wrdreg s2  }
0xb0: {  	[dreg:$0x4] =	wrdreg $0x186E00  }
0xb1: {  	[dreg:$0x5] =	wrdreg $0x9  }
0xb2: {  	_ =	task.clear_ibuf [dreg:s7], $0x6FFFF;
	_ =	strace $0x90000046  }
0xb3: {  	s29 =	simm.s32 $0x9;
	_ =	strace $0x80000048  }
0xb4: {  	_ =	swait.ge [sflag:s29], $0x1  }
0xb5: {  	[sflag:s29] =	ssyncadd.s32 $0xFFFFFFFF  }
0xb6: {  	_ =	strace $0x90000048  }
0xb7: {  	_ =	sfence  }
0xb8: {  	s30 =	sld [smem:$0x0];
	_ =	sdelay $0x2  }
0xb9: {  	s31 =	sshll.u32 s1, $0xD;
	s1 =	sshrl.u32 s1, $0x2  }
0xba: {  	s3 =	sand.u32 $0x4000, s31;
	s1 =	sadd.s32 s1, s30  }
0xbb: {  	s0 =	sor.u32 s3, s0;
	s1 =	sshll.u32 s1, $0x11  }
0xbc: {  	s0 =	sor.u32 s1, s0  }
0xbd: {  	s0 =	sadd.s32 $0x8F2B, s0  }
0xbe: {  	[sflag:s0] =	ssyncadd.remote.s32 $0x1  }
0xbf: {  	_ =	sfence.sel $0xFFFF  }
0xc0: {  	[dreg:$0x0] =	wrdreg $0xFFFFFFFF;
	(pc) =	sbr.abs _section_cstart, $3  }
0xc1: {  	[dreg:$0x1] =	wrdreg $0xFFFFFFFF  }
0xc2: {  	_ =	task.clear_ibuf [dreg:s7], $0x2FFFF;
	_ =	strace $0x9FFFFFFF  }
0xc3: {  	(tm) =	ssettm $0x7FFFFFFF  }
tec
execute0_lowered:
.L_overlay_start_1:
0x0: {  	(tag) =	ssettag $0x1  }
0x1: {  	s0 =	rddreg [dreg:$0x0]  }
0x2: {  	s2 =	rddreg [dreg:$0x1]  }
0x3: {  	s1 =	rddreg [dreg:$0x2]  }
0x4: {  	s3 =	simm.s32 $0x0;
	s22 =	srdreg.scid;
	s12 =	stileid.u32  }
0x5: {  	s16 =	simm.s32 $0x1;
	s20 =	simm.s32 $0x7D;
	s13 =	simm.s32 $0x109D0  }
0x6: {  	s14 =	simm.s32 $0x480;
	s18 =	simm.s32 $0x580;
	s19 =	simm.s32 $0x138B0  }
0x7: {  	s21 =	simm.s32 $0x600;
	s28 =	simm.s32 $0x780;
	s29 =	simm.s32 $0x17730  }
0x8: {  	s30 =	simm.s32 $0x0;
	[smem:$0x7FF] =	sst s3;
	s4 =	sadd.s32 $0x1400, s0  }
0x9: {  	s5 =	sadd.s32 $0xB400, s0;
	s3 =	sand.u32 $0x1, s22;
	s8 =	smul.u32 $0x9C0, s12  }
0xa: {  	s6 =	sadd.s32 $0x4E3400, s0;
	s0 =	sadd.s32 $0x15200, s0;
	s9 =	smul.u32 $0x13800, s12  }
0xb: {  	s17 =	sadd.s32 $0x4E000, s1;
	p0 =	sne.s32 s12, $0xF;
	s22 =	simm.s32 $0x14850  }
0xc: {  	_ =	strace $0x80000047;
	s7 =	ssub.s32 $0x2, s3;
	s10 =	smul.u32 $0x4E200, s3  }
0xd: {  	[dreg:$0x4] =	wrdreg s0;
	s24 =	sshll.u32 s3, $0x4;
	s3 =	smul.u32 $0x9C40, s3  }
0xe: {  	[dreg:$0x6] =	wrdreg s17;
	s23 =	sshrl.u32 s7, $0x1;
	s9 =	sshrl.u32 s9, $0x2  }
0xf: {  	s0 =	ssub.s32 s7, s23;
	s7 =	sor.u32 s12, s24;
	s15 =	sadd.s32 s9, s1  }
0x10: {  	s25 =	sshrl.u32 s10, $0x3;
	s3 =	sadd.s32 s8, s3;
	s12 =	simm.s32 $0x400  }
0x11: {  	s8 =	simm.s32 $0x11970;
	s9 =	simm.s32 $0x500;
	s23 =	simm.s32 $0x680  }
0x12: {  	s24 =	simm.s32 $0x157F0;
	s10 =	smul.u32 $0x2710, s7;
	s26 =	sadd.s32 s2, s25  }
0x13: {  	s11 =	smul.u32 $0x2800, s7;
	s2 =	sadd.s32 s2, s3;
	[dreg:$0x5] =	wrdreg s15  }
0x14: {  	s0 =	smax.u32 s0, $0x1;
	s25 =	simm.s32 $0x700;
	[dreg:$0x7] =	wrdreg s2  }
0x15: {  	s7 =	simm.s32 $0x0;
	s31 =	sadd.s32 $0x9C00, s26;
	[dreg:$0x9] =	wrdreg s0  }
0x16: {  	v0 =	vimm.f32 $0.0e+00;
	s2 =	simm.s32 $0x12910;
	s26 =	simm.s32 $0x16790;
	[dreg:$0x8] =	wrdreg s31  }
.LBB2_1:
0x17: {  	[dreg:$0xa] =	wrdreg s7  }
0x18: {  	s0 =	simm.s32 $0x0;
	s3 =	rddreg [dreg:$0x4];
	s31 =	simm.s32 $0x186D0  }
0x19: {  	[tilespmem:s31], [sflag:$0x1] =	stream.linear.gather [hbm4b:s3+s0], $0x10, $0x38;
	[tilespmem:$0x1D500] =	vst v63  }
0x1a: {  	_ =	swait.ge [sflag:s16], $0x10  }
0x1b: {  	[sflag:s16] =	ssyncset.done $0x0  }
0x1c: {  	[sflag:s16] =	ssyncadd.s32 $0xFFFFFFF0  }
0x1d: {  	s0 =	simm.s32 $0x80;
	s3 =	simm.s32 $0x0;
	v1 =	vld [tilespmem:$0x186D0]  }
.LBB2_2:
0x1e: {  	p1 =	sne.s32 s0, $0x3E780;
	[tilespmem:s3+$0x8CD0] =	vst v0;
	s7 =	smov.u32 s0;
	s0 =	sadd.s32 $0x80, s0  }
.Ltmp0:
0x1f: {  	[tilespmem:s3+$0x8CE0] =	vst v0;
	(pc) =	sbr.rel @p1 .LBB2_2-.Ltmp0, $2  }
0x20: {  	_ =	sdelay $0x2  }
0x21: {  	s3 =	sshra.s32 s7, $0x2  }
0x22: {  	[tilespmem:s3+$0x8CD0] =	vst v0  }
0x23: {  	[tilespmem:s3+$0x8CE0] =	vst v0;
	s0 =	simm.s32 $0x8CD0  }
0x24: {  	[spmem:s15] =	stream.linear.scatter [tilespmem:s0], [sflag:$0x1], $0x4E00, $0x38;
	[tilespmem:$0x1D500] =	vst v63  }
0x25: {  	_ =	swait.ge [sflag:s16], $0x4E00  }
0x26: {  	[sflag:s16] =	ssyncset.done $0x0  }
0x27: {  	s0 =	simm.s32 @!p0 $0x8CD0;
	[sflag:s16] =	ssyncadd.s32 $0xFFFFB200  }
0x28: {  	[spmem:s17] =	stream.linear.scatter @!p0 [tilespmem:s0], [sflag:$0x1], $0x200, $0x38;
	[tilespmem:$0x1D500] =	vst v63  }
0x29: {  	s0 =	simm.s32 @!p0 $0x1  }
0x2a: {  	_ =	swait.ge @!p0 [sflag:s0], $0x200  }
0x2b: {  	[sflag:s0] =	ssyncset.done @!p0 $0x0  }
0x2c: {  	[sflag:s0] =	ssyncadd.s32 @!p0 $0xFFFFFE00  }
0x2d: {  	s31 =	simm.s32 $0x0;
	[bflag:$0x0] =	sbarrier.arrive $0xFFFF  }
.LBB2_4:
0x2e: {  	s0 =	sshll.u32 s31, $0xB  }
0x2f: {  	s0 =	sadd.s32 s11, s0  }
0x30: {  	s0 =	sshrl.u32 s0, $0x3  }
0x31: {  	s3 =	smul.u32 $0x7D0, s31;
	s0 =	sadd.s32 s4, s0  }
0x32: {  	[tilespmem:s30], [sflag:$0x1] =	stream.linear.gather [hbm4b:s0+s30], $0x800, $0x38;
	[tilespmem:$0x1D500] =	vst v63  }
0x33: {  	s17 =	sadd.s32 s10, s3;
	_ =	swait.ge [sflag:s16], $0x800  }
0x34: {  	s3 =	sshrl.u32 s17, $0x3;
	[sflag:s16] =	ssyncset.done $0x0  }
0x35: {  	s7 =	simm.s32 $0x800;
	s3 =	sadd.s32 s5, s3;
	[sflag:s16] =	ssyncadd.s32 $0xFFFFF800  }
0x36: {  	[tilespmem:s7], [sflag:$0x1] =	stream.linear.gather [hbm4b:s3+s30], $0x7D0, $0x38;
	[tilespmem:$0x1D500] =	vst v63  }
0x37: {  	_ =	swait.ge [sflag:s16], $0x7D0  }
0x38: {  	s0 =	sshll.u32 s17, $0x1;
	[sflag:s16] =	ssyncset.done $0x0  }
0x39: {  	s15 =	simm.s32 $0xFD0;
	s0 =	sadd.s32 s6, s0;
	[sflag:s16] =	ssyncadd.s32 $0xFFFFF830  }
0x3a: {  	[tilespmem:s15], [sflag:$0x1] =	stream.linear.gather [hbm4b:s0+s30], $0x7D00, $0x38;
	[tilespmem:$0x1D500] =	vst v63  }
0x3b: {  	_ =	swait.ge [sflag:s16], $0x7D00  }
0x3c: {  	[sflag:s16] =	ssyncset.done $0x0  }
0x3d: {  	s17 =	simm.s32 $0x0;
	[sflag:s16] =	ssyncadd.s32 $0xFFFF8300  }
0x3e: {  	v2 =	vld [tilespmem:s17+$0x800];
	_ =	sdelay $0x4  }
0x3f: {  	v2 =	vmul.f32 $1.442695020e+00, v2;
	_ =	sdelay $0x1  }
0x40: {  	(erf) = vpow2.f32 v2;
	_ =	sdelay $0x5  }
0x41: {  	s0 =	simm.s32 $0x1050  }
0x42: {  	v2 =	vld [tilespmem:s0+$0xFFFFFF80];
	_ =	sdelay $0x1  }
0x43: {  	v3 =	vpop (erf)  }
0x44: {  	v4 =	vbroadcast v3, $0x0;
	_ =	sdelay $0x1  }
0x45: {  	v2 =	vmul.f32 v4, v2  }
0x46: {  	s15 =	simm.s32 $0x8DD0;
	v4 =	vmul.f32 v4, v1  }
0x47: {  	[tilespmem:s15+$0xFFFFFF00] =	vst v2  }
0x48: {  	[tilespmem:s15+$0xFFFFFF10] =	vst v4  }
0x49: {  	v2 =	vld [tilespmem:s0+$0xFFFFFF90];
	_ =	sdelay $0x1  }
0x4a: {  	v36 =	vbroadcast v3, $0x1;
	_ =	sdelay $0x1  }
0x4b: {  	v5 =	vmul.f32 v36, v1  }
0x4c: {  	v2 =	vmul.f32 v2, v36  }
0x4d: {  	[tilespmem:s15+$0xFFFFFF30] =	vst v5  }
0x4e: {  	[tilespmem:s15+$0xFFFFFF20] =	vst v2  }
0x4f: {  	v2 =	vld [tilespmem:s0+$0xFFFFFFA0];
	_ =	sdelay $0x1  }
0x50: {  	v37 =	vbroadcast v3, $0x2;
	_ =	sdelay $0x1  }
0x51: {  	v38 =	vmul.f32 v37, v1  }
0x52: {  	v2 =	vmul.f32 v2, v37  }
0x53: {  	[tilespmem:s15+$0xFFFFFF50] =	vst v38  }
0x54: {  	[tilespmem:s15+$0xFFFFFF40] =	vst v2  }
0x55: {  	v2 =	vld [tilespmem:s0+$0xFFFFFFB0];
	_ =	sdelay $0x1  }
0x56: {  	v39 =	vbroadcast v3, $0x3;
	_ =	sdelay $0x1  }
0x57: {  	v40 =	vmul.f32 v39, v1  }
0x58: {  	v2 =	vmul.f32 v2, v39  }
0x59: {  	[tilespmem:s15+$0xFFFFFF70] =	vst v40  }
0x5a: {  	[tilespmem:s15+$0xFFFFFF60] =	vst v2  }
0x5b: {  	v2 =	vld [tilespmem:s0+$0xFFFFFFC0];
	_ =	sdelay $0x1  }
0x5c: {  	v41 =	vbroadcast v3, $0x4;
	_ =	sdelay $0x1  }
0x5d: {  	v42 =	vmul.f32 v41, v1  }
0x5e: {  	v2 =	vmul.f32 v2, v41  }
0x5f: {  	[tilespmem:s15+$0xFFFFFF90] =	vst v42  }
0x60: {  	[tilespmem:s15+$0xFFFFFF80] =	vst v2  }
0x61: {  	v2 =	vld [tilespmem:s0+$0xFFFFFFD0];
	_ =	sdelay $0x1  }
0x62: {  	v43 =	vbroadcast v3, $0x5;
	_ =	sdelay $0x1  }
0x63: {  	v44 =	vmul.f32 v43, v1  }
0x64: {  	v2 =	vmul.f32 v2, v43  }
0x65: {  	[tilespmem:s15+$0xFFFFFFB0] =	vst v44  }
0x66: {  	[tilespmem:s15+$0xFFFFFFA0] =	vst v2  }
0x67: {  	v2 =	vld [tilespmem:s0+$0xFFFFFFE0];
	_ =	sdelay $0x1  }
0x68: {  	v45 =	vbroadcast v3, $0x6;
	_ =	sdelay $0x1  }
0x69: {  	v46 =	vmul.f32 v45, v1  }
0x6a: {  	v2 =	vmul.f32 v2, v45  }
0x6b: {  	[tilespmem:s15+$0xFFFFFFD0] =	vst v46  }
0x6c: {  	[tilespmem:s15+$0xFFFFFFC0] =	vst v2  }
0x6d: {  	v2 =	vld [tilespmem:s0+$0xFFFFFFF0];
	_ =	sdelay $0x1  }
0x6e: {  	v47 =	vbroadcast v3, $0x7;
	_ =	sdelay $0x1  }
0x6f: {  	v48 =	vmul.f32 v47, v1  }
0x70: {  	v2 =	vmul.f32 v2, v47  }
0x71: {  	[tilespmem:s15+$0xFFFFFFF0] =	vst v48  }
0x72: {  	[tilespmem:s15+$0xFFFFFFE0] =	vst v2  }
0x73: {  	v2 =	vld [tilespmem:s0+$0x0];
	_ =	sdelay $0x1  }
0x74: {  	v49 =	vbroadcast v3, $0x8;
	_ =	sdelay $0x1  }
0x75: {  	v50 =	vmul.f32 v49, v1  }
0x76: {  	v2 =	vmul.f32 v2, v49  }
0x77: {  	[tilespmem:s15+$0x10] =	vst v50  }
0x78: {  	[tilespmem:s15+$0x0] =	vst v2  }
0x79: {  	v2 =	vld [tilespmem:s0+$0x10];
	_ =	sdelay $0x1  }
0x7a: {  	v51 =	vbroadcast v3, $0x9;
	_ =	sdelay $0x1  }
0x7b: {  	v52 =	vmul.f32 v51, v1  }
0x7c: {  	v2 =	vmul.f32 v2, v51  }
0x7d: {  	[tilespmem:s15+$0x30] =	vst v52  }
0x7e: {  	[tilespmem:s15+$0x20] =	vst v2  }
0x7f: {  	v2 =	vld [tilespmem:s0+$0x20];
	_ =	sdelay $0x1  }
0x80: {  	v53 =	vbroadcast v3, $0xA;
	_ =	sdelay $0x1  }
0x81: {  	v54 =	vmul.f32 v53, v1  }
0x82: {  	v2 =	vmul.f32 v2, v53  }
0x83: {  	[tilespmem:s15+$0x50] =	vst v54  }
0x84: {  	[tilespmem:s15+$0x40] =	vst v2  }
0x85: {  	v2 =	vld [tilespmem:s0+$0x30];
	_ =	sdelay $0x1  }
0x86: {  	v55 =	vbroadcast v3, $0xB;
	_ =	sdelay $0x1  }
0x87: {  	v56 =	vmul.f32 v55, v1  }
0x88: {  	v2 =	vmul.f32 v2, v55  }
0x89: {  	[tilespmem:s15+$0x70] =	vst v56  }
0x8a: {  	[tilespmem:s15+$0x60] =	vst v2  }
0x8b: {  	v2 =	vld [tilespmem:s0+$0x40];
	_ =	sdelay $0x1  }
0x8c: {  	v57 =	vbroadcast v3, $0xC;
	_ =	sdelay $0x1  }
0x8d: {  	v58 =	vmul.f32 v57, v1  }
0x8e: {  	v2 =	vmul.f32 v2, v57  }
0x8f: {  	[tilespmem:s15+$0x90] =	vst v58  }
0x90: {  	[tilespmem:s15+$0x80] =	vst v2  }
0x91: {  	v2 =	vld [tilespmem:s0+$0x50];
	_ =	sdelay $0x1  }
0x92: {  	v59 =	vbroadcast v3, $0xD;
	_ =	sdelay $0x1  }
0x93: {  	v60 =	vmul.f32 v59, v1  }
0x94: {  	v2 =	vmul.f32 v2, v59  }
0x95: {  	[tilespmem:s15+$0xB0] =	vst v60  }
0x96: {  	[tilespmem:s15+$0xA0] =	vst v2  }
0x97: {  	v2 =	vld [tilespmem:s0+$0x60];
	_ =	sdelay $0x1  }
0x98: {  	v61 =	vbroadcast v3, $0xE;
	_ =	sdelay $0x1  }
0x99: {  	v62 =	vmul.f32 v61, v1  }
0x9a: {  	v2 =	vmul.f32 v2, v61  }
0x9b: {  	[tilespmem:s15+$0xD0] =	vst v62  }
0x9c: {  	[tilespmem:s15+$0xC0] =	vst v2  }
0x9d: {  	v2 =	vld [tilespmem:s0+$0x70]  }
0x9e: {  	v3 =	vbroadcast v3, $0xF;
	_ =	sdelay $0x1  }
0x9f: {  	v63 =	vmul.f32 v3, v1;
	_ =	sdelay $0x1  }
0xa0: {  	s3 =	simm.s32 $0x40;
	s7 =	simm.s32 $0x8DD0;
	[tilespmem:s15+$0xF0] =	vst v63;
	v2 =	vmul.f32 v2, v3  }
.LBB2_5:
0xa1: {  	p1 =	sne.s32 s3, $0x1F00;
	s0 =	sadd.s32 $0x100, s0;
	s15 =	sadd.s32 $0x200, s15  }
0xa2: {  	s17 =	sshra.s32 s3, $0x2;
	s3 =	sadd.s32 $0x40, s3;
	[tilespmem:s7+$0xE0] =	vst v2;
	s7 =	smov.u32 s15  }
0xa3: {  	v2 =	vld [tilespmem:s17+$0x800];
	_ =	sdelay $0x4  }
0xa4: {  	v2 =	vmul.f32 $1.442695020e+00, v2;
	_ =	sdelay $0x1  }
0xa5: {  	(erf) = vpow2.f32 v2;
	_ =	sdelay $0x6  }
0xa6: {  	v3 =	vld [tilespmem:s0+$0xFFFFFF80];
	_ =	sdelay $0x1  }
0xa7: {  	v2 =	vpop (erf)  }
0xa8: {  	v4 =	vbroadcast v2, $0x0;
	_ =	sdelay $0x1  }
0xa9: {  	v3 =	vmul.f32 v4, v3;
	v4 =	vmul.f32 v4, v1;
	_ =	sdelay $0x1  }
0xaa: {  	[tilespmem:s15+$0xFFFFFF00] =	vst v3  }
0xab: {  	[tilespmem:s15+$0xFFFFFF10] =	vst v4  }
0xac: {  	v3 =	vld [tilespmem:s0+$0xFFFFFF90];
	_ =	sdelay $0x1  }
0xad: {  	v4 =	vbroadcast v2, $0x1;
	_ =	sdelay $0x1  }
0xae: {  	v5 =	vmul.f32 v4, v1  }
0xaf: {  	v3 =	vmul.f32 v3, v4  }
0xb0: {  	[tilespmem:s15+$0xFFFFFF30] =	vst v5  }
0xb1: {  	[tilespmem:s15+$0xFFFFFF20] =	vst v3  }
0xb2: {  	v3 =	vld [tilespmem:s0+$0xFFFFFFA0];
	_ =	sdelay $0x1  }
0xb3: {  	v4 =	vbroadcast v2, $0x2;
	_ =	sdelay $0x1  }
0xb4: {  	v5 =	vmul.f32 v4, v1  }
0xb5: {  	v3 =	vmul.f32 v3, v4  }
0xb6: {  	[tilespmem:s15+$0xFFFFFF50] =	vst v5  }
0xb7: {  	[tilespmem:s15+$0xFFFFFF40] =	vst v3  }
0xb8: {  	v3 =	vld [tilespmem:s0+$0xFFFFFFB0];
	_ =	sdelay $0x1  }
0xb9: {  	v4 =	vbroadcast v2, $0x3;
	_ =	sdelay $0x1  }
0xba: {  	v5 =	vmul.f32 v4, v1  }
0xbb: {  	v3 =	vmul.f32 v3, v4  }
0xbc: {  	[tilespmem:s15+$0xFFFFFF70] =	vst v5  }
0xbd: {  	[tilespmem:s15+$0xFFFFFF60] =	vst v3  }
0xbe: {  	v3 =	vld [tilespmem:s0+$0xFFFFFFC0];
	_ =	sdelay $0x1  }
0xbf: {  	v4 =	vbroadcast v2, $0x4;
	_ =	sdelay $0x1  }
0xc0: {  	v5 =	vmul.f32 v4, v1  }
0xc1: {  	v3 =	vmul.f32 v3, v4  }
0xc2: {  	[tilespmem:s15+$0xFFFFFF90] =	vst v5  }
0xc3: {  	[tilespmem:s15+$0xFFFFFF80] =	vst v3  }
0xc4: {  	v3 =	vld [tilespmem:s0+$0xFFFFFFD0];
	_ =	sdelay $0x1  }
0xc5: {  	v4 =	vbroadcast v2, $0x5;
	_ =	sdelay $0x1  }
0xc6: {  	v5 =	vmul.f32 v4, v1  }
0xc7: {  	v3 =	vmul.f32 v3, v4  }
0xc8: {  	[tilespmem:s15+$0xFFFFFFB0] =	vst v5  }
0xc9: {  	[tilespmem:s15+$0xFFFFFFA0] =	vst v3  }
0xca: {  	v3 =	vld [tilespmem:s0+$0xFFFFFFE0];
	_ =	sdelay $0x1  }
0xcb: {  	v4 =	vbroadcast v2, $0x6;
	_ =	sdelay $0x1  }
0xcc: {  	v5 =	vmul.f32 v4, v1  }
0xcd: {  	v3 =	vmul.f32 v3, v4  }
0xce: {  	[tilespmem:s15+$0xFFFFFFD0] =	vst v5  }
0xcf: {  	[tilespmem:s15+$0xFFFFFFC0] =	vst v3  }
0xd0: {  	v3 =	vld [tilespmem:s0+$0xFFFFFFF0];
	_ =	sdelay $0x1  }
0xd1: {  	v4 =	vbroadcast v2, $0x7;
	_ =	sdelay $0x1  }
0xd2: {  	v5 =	vmul.f32 v4, v1  }
0xd3: {  	v3 =	vmul.f32 v3, v4;
	v4 =	vbroadcast v2, $0x8  }
0xd4: {  	[tilespmem:s15+$0xFFFFFFF0] =	vst v5  }
0xd5: {  	[tilespmem:s15+$0xFFFFFFE0] =	vst v3;
	v3 =	vmul.f32 v4, v1  }
0xd6: {  	v5 =	vld [tilespmem:s0+$0x0]  }
0xd7: {  	[tilespmem:s15+$0x10] =	vst v3;
	_ =	sdelay $0x3  }
0xd8: {  	v3 =	vmul.f32 v5, v4;
	v4 =	vbroadcast v2, $0x9;
	_ =	sdelay $0x1  }
0xd9: {  	[tilespmem:s15+$0x0] =	vst v3;
	v3 =	vmul.f32 v4, v1  }
0xda: {  	v5 =	vld [tilespmem:s0+$0x10]  }
0xdb: {  	[tilespmem:s15+$0x30] =	vst v3;
	_ =	sdelay $0x3  }
0xdc: {  	v3 =	vmul.f32 v5, v4;
	v4 =	vbroadcast v2, $0xA;
	_ =	sdelay $0x1  }
0xdd: {  	[tilespmem:s15+$0x20] =	vst v3;
	v3 =	vmul.f32 v4, v1  }
0xde: {  	v5 =	vld [tilespmem:s0+$0x20]  }
0xdf: {  	[tilespmem:s15+$0x50] =	vst v3;
	_ =	sdelay $0x3  }
0xe0: {  	v3 =	vmul.f32 v5, v4;
	v4 =	vbroadcast v2, $0xB;
	_ =	sdelay $0x1  }
0xe1: {  	[tilespmem:s15+$0x40] =	vst v3;
	v3 =	vmul.f32 v4, v1  }
0xe2: {  	v5 =	vld [tilespmem:s0+$0x30]  }
0xe3: {  	[tilespmem:s15+$0x70] =	vst v3;
	_ =	sdelay $0x3  }
0xe4: {  	v3 =	vmul.f32 v5, v4;
	v4 =	vbroadcast v2, $0xC;
	_ =	sdelay $0x1  }
0xe5: {  	[tilespmem:s15+$0x60] =	vst v3;
	v3 =	vmul.f32 v4, v1  }
0xe6: {  	v5 =	vld [tilespmem:s0+$0x40]  }
0xe7: {  	[tilespmem:s15+$0x90] =	vst v3;
	_ =	sdelay $0x3  }
0xe8: {  	v3 =	vmul.f32 v5, v4;
	v4 =	vbroadcast v2, $0xD;
	_ =	sdelay $0x1  }
0xe9: {  	[tilespmem:s15+$0x80] =	vst v3;
	v3 =	vmul.f32 v4, v1  }
0xea: {  	v5 =	vld [tilespmem:s0+$0x50]  }
0xeb: {  	[tilespmem:s15+$0xB0] =	vst v3;
	_ =	sdelay $0x3  }
0xec: {  	v3 =	vmul.f32 v5, v4;
	v4 =	vbroadcast v2, $0xE;
	_ =	sdelay $0x1  }
0xed: {  	[tilespmem:s15+$0xA0] =	vst v3;
	v3 =	vmul.f32 v4, v1  }
0xee: {  	v5 =	vld [tilespmem:s0+$0x60]  }
0xef: {  	[tilespmem:s15+$0xD0] =	vst v3;
	_ =	sdelay $0x3  }
0xf0: {  	v2 =	vbroadcast v2, $0xF;
	v3 =	vmul.f32 v5, v4;
	_ =	sdelay $0x1  }
0xf1: {  	[tilespmem:s15+$0xC0] =	vst v3;
	v3 =	vmul.f32 v2, v1  }
0xf2: {  	v4 =	vld [tilespmem:s0+$0x70]  }
.Ltmp1:
0xf3: {  	[tilespmem:s15+$0xF0] =	vst v3;
	(pc) =	sbr.rel @p1 .LBB2_5-.Ltmp1, $2  }
0xf4: {  	_ =	sdelay $0x2  }
0xf5: {  	v2 =	vmul.f32 v4, v2  }
0xf6: {  	_ = 	snop  }
0xf7: {  	s0 =	simm.s32 $0x0;
	s3 =	simm.s32 $0x8CD0;
	[tilespmem:s7+$0xE0] =	vst v2  }
0xf8: {  	[spmem:s1] =	stream.indirect.scatter.add.f32 [tilespmem:s3], [sflag:$0x1], $0x20, s0, s20, $0xb8;
	[tilespmem:$0x1D500] =	vst v63  }
0xf9: {  	_ =	swait.ge [sflag:s16], $0xFA0  }
0xfa: {  	[sflag:s16] =	ssyncset.done $0x0  }
0xfb: {  	s15 =	simm.s32 $0x80;
	s17 =	simm.s32 $0x9C70;
	[sflag:s16] =	ssyncadd.s32 $0xFFFFF060  }
0xfc: {  	[spmem:s1] =	stream.indirect.scatter.add.f32 [tilespmem:s17], [sflag:$0x1], $0x20, s15, s20, $0xb8;
	[tilespmem:$0x1D500] =	vst v63  }
0xfd: {  	_ =	swait.ge [sflag:s16], $0xFA0  }
0xfe: {  	[sflag:s16] =	ssyncset.done $0x0  }
0xff: {  	s7 =	simm.s32 $0xAC10;
	s3 =	simm.s32 $0x100;
	[sflag:s16] =	ssyncadd.s32 $0xFFFFF060  }
0x100: {  	[spmem:s1] =	stream.indirect.scatter.add.f32 [tilespmem:s7], [sflag:$0x1], $0x20, s3, s20, $0xb8;
	[tilespmem:$0x1D500] =	vst v63  }
0x101: {  	_ =	swait.ge [sflag:s16], $0xFA0  }
0x102: {  	[sflag:s16] =	ssyncset.done $0x0  }
0x103: {  	s15 =	simm.s32 $0x180;
	s17 =	simm.s32 $0xBBB0;
	[sflag:s16] =	ssyncadd.s32 $0xFFFFF060  }
0x104: {  	[spmem:s1] =	stream.indirect.scatter.add.f32 [tilespmem:s17], [sflag:$0x1], $0x20, s15, s20, $0xb8;
	[tilespmem:$0x1D500] =	vst v63  }
0x105: {  	_ =	swait.ge [sflag:s16], $0xFA0  }
0x106: {  	[sflag:s16] =	ssyncset.done $0x0  }
0x107: {  	s3 =	simm.s32 $0x200;
	s7 =	simm.s32 $0xCB50;
	[sflag:s16] =	ssyncadd.s32 $0xFFFFF060  }
0x108: {  	[spmem:s1] =	stream.indirect.scatter.add.f32 [tilespmem:s7], [sflag:$0x1], $0x20, s3, s20, $0xb8;
	[tilespmem:$0x1D500] =	vst v63  }
0x109: {  	_ =	swait.ge [sflag:s16], $0xFA0  }
0x10a: {  	[sflag:s16] =	ssyncset.done $0x0  }
0x10b: {  	s15 =	simm.s32 $0x280;
	s17 =	simm.s32 $0xDAF0;
	[sflag:s16] =	ssyncadd.s32 $0xFFFFF060  }
0x10c: {  	[spmem:s1] =	stream.indirect.scatter.add.f32 [tilespmem:s17], [sflag:$0x1], $0x20, s15, s20, $0xb8;
	[tilespmem:$0x1D500] =	vst v63  }
0x10d: {  	_ =	swait.ge [sflag:s16], $0xFA0  }
0x10e: {  	[sflag:s16] =	ssyncset.done $0x0  }
0x10f: {  	s3 =	simm.s32 $0x300;
	s7 =	simm.s32 $0xEA90;
	[sflag:s16] =	ssyncadd.s32 $0xFFFFF060  }
0x110: {  	[spmem:s1] =	stream.indirect.scatter.add.f32 [tilespmem:s7], [sflag:$0x1], $0x20, s3, s20, $0xb8;
	[tilespmem:$0x1D500] =	vst v63  }
0x111: {  	_ =	swait.ge [sflag:s16], $0xFA0  }
0x112: {  	[sflag:s16] =	ssyncset.done $0x0  }
0x113: {  	s15 =	simm.s32 $0x380;
	s17 =	simm.s32 $0xFA30;
	[sflag:s16] =	ssyncadd.s32 $0xFFFFF060  }
0x114: {  	[spmem:s1] =	stream.indirect.scatter.add.f32 [tilespmem:s17], [sflag:$0x1], $0x20, s15, s20, $0xb8;
	[tilespmem:$0x1D500] =	vst v63  }
0x115: {  	_ =	swait.ge [sflag:s16], $0xFA0  }
0x116: {  	[sflag:s16] =	ssyncset.done $0x0  }
0x117: {  	[sflag:s16] =	ssyncadd.s32 $0xFFFFF060  }
0x118: {  	[spmem:s1] =	stream.indirect.scatter.add.f32 [tilespmem:s13], [sflag:$0x1], $0x20, s12, s20, $0xb8;
	[tilespmem:$0x1D500] =	vst v63  }
0x119: {  	_ =	swait.ge [sflag:s16], $0xFA0  }
0x11a: {  	[sflag:s16] =	ssyncset.done $0x0  }
0x11b: {  	[sflag:s16] =	ssyncadd.s32 $0xFFFFF060  }
0x11c: {  	[spmem:s1] =	stream.indirect.scatter.add.f32 [tilespmem:s8], [sflag:$0x1], $0x20, s14, s20, $0xb8;
	[tilespmem:$0x1D500] =	vst v63  }
0x11d: {  	_ =	swait.ge [sflag:s16], $0xFA0  }
0x11e: {  	[sflag:s16] =	ssyncset.done $0x0  }
0x11f: {  	[sflag:s16] =	ssyncadd.s32 $0xFFFFF060  }
0x120: {  	[spmem:s1] =	stream.indirect.scatter.add.f32 [tilespmem:s2], [sflag:$0x1], $0x20, s9, s20, $0xb8;
	[tilespmem:$0x1D500] =	vst v63  }
0x121: {  	_ =	swait.ge [sflag:s16], $0xFA0  }
0x122: {  	[sflag:s16] =	ssyncset.done $0x0  }
0x123: {  	[sflag:s16] =	ssyncadd.s32 $0xFFFFF060  }
0x124: {  	[spmem:s1] =	stream.indirect.scatter.add.f32 [tilespmem:s19], [sflag:$0x1], $0x20, s18, s20, $0xb8;
	[tilespmem:$0x1D500] =	vst v63  }
0x125: {  	_ =	swait.ge [sflag:s16], $0xFA0  }
0x126: {  	[sflag:s16] =	ssyncset.done $0x0  }
0x127: {  	[sflag:s16] =	ssyncadd.s32 $0xFFFFF060  }
0x128: {  	[spmem:s1] =	stream.indirect.scatter.add.f32 [tilespmem:s22], [sflag:$0x1], $0x20, s21, s20, $0xb8;
	[tilespmem:$0x1D500] =	vst v63  }
0x129: {  	_ =	swait.ge [sflag:s16], $0xFA0  }
0x12a: {  	[sflag:s16] =	ssyncset.done $0x0  }
0x12b: {  	[sflag:s16] =	ssyncadd.s32 $0xFFFFF060  }
0x12c: {  	[spmem:s1] =	stream.indirect.scatter.add.f32 [tilespmem:s24], [sflag:$0x1], $0x20, s23, s20, $0xb8;
	[tilespmem:$0x1D500] =	vst v63  }
0x12d: {  	_ =	swait.ge [sflag:s16], $0xFA0  }
0x12e: {  	[sflag:s16] =	ssyncset.done $0x0  }
0x12f: {  	[sflag:s16] =	ssyncadd.s32 $0xFFFFF060  }
0x130: {  	[spmem:s1] =	stream.indirect.scatter.add.f32 [tilespmem:s26], [sflag:$0x1], $0x20, s25, s20, $0xb8;
	[tilespmem:$0x1D500] =	vst v63  }
0x131: {  	s31 =	sadd.s32 $0x1, s31;
	_ =	swait.ge [sflag:s16], $0xFA0  }
0x132: {  	p1 =	sne.s32 s31, $0x5;
	[sflag:s16] =	ssyncset.done $0x0  }
.Ltmp2:
0x133: {  	[sflag:s16] =	ssyncadd.s32 $0xFFFFF060;
	(pc) =	sbr.rel @p1 .LBB2_4-.Ltmp2, $4  }
0x134: {  	[spmem:s1] =	stream.indirect.scatter.add.f32 [tilespmem:s29], [sflag:$0x1], $0x20, s28, s20, $0xb8;
	[tilespmem:$0x1D500] =	vst v63  }
0x135: {  	_ =	swait.ge [sflag:s16], $0xFA0  }
0x136: {  	[sflag:s16] =	ssyncset.done $0x0  }
0x137: {  	[sflag:s16] =	ssyncadd.s32 $0xFFFFF060  }
0x138: {  	s0 =	stileid.u32;
	[bflag:$0x0] =	sbarrier.arrive $0xFFFF  }
0x139: {  	s0 =	sshll.u32 s0, $0x6;
	s15 =	rddreg [dreg:$0x5]  }
0x13a: {  	s7 =	rddreg [dreg:$0x7];
	s0 =	sor.u32 $0x1C01, s0;
	s3 =	sshrl.u32 s15, $0x3  }
0x13b: {  	[hbm:s7], [sflag:s0] =	dma.local [spmem:s3], $0x9C0  }
0x13c: {  	_ =	swait.ge [sflag:s16], $0x9C0  }
0x13d: {  	[sflag:s16] =	ssyncset.done $0x0;
	s17 =	rddreg [dreg:$0x6]  }
0x13e: {  	s7 =	rddreg [dreg:$0x8];
	[sflag:s16] =	ssyncadd.s32 $0xFFFFF640;
	s3 =	sshrl.u32 @!p0 s17, $0x3  }
0x13f: {  	[hbm:s7], [sflag:s0] =	dma.local @!p0 [spmem:s3], $0x40  }
0x140: {  	s0 =	simm.s32 @!p0 $0x1  }
0x141: {  	_ =	swait.ge @!p0 [sflag:s0], $0x40  }
0x142: {  	s3 =	rddreg [dreg:$0xa]  }
0x143: {  	s31 =	rddreg [dreg:$0x9];
	s7 =	sadd.s32 $0x1, s3  }
0x144: {  	p1 =	sne.s32 s7, s31  }
.Ltmp3:
0x145: {  	_ = 	snop;
	(pc) =	sbr.rel @p1 .LBB2_1-.Ltmp3, $3  }
0x146: {  	_ =	sdelay $0x1  }
0x147: {  	[sflag:s0] =	ssyncset.done @!p0 $0x0  }
0x148: {  	[sflag:s0] =	ssyncadd.s32 @!p0 $0xFFFFFFC0  }
0x149: {  	_ =	sfence.sel $0x180000  }
0x14a: {  	[bflag:$0x0] =	sbarrier.arrive $0xFFFF  }
0x14b: {  	_ =	strace $0x90000047  }
0x14c: {  	s0 =	stileid.u32;
	[bflag:$0x2] =	sbarrier.arrive $0xFFFF  }
0x14d: {  	p0 =	sne.s32 s0, $0x0;
	s0 =	rddreg [dreg:$0x3]  }
0x14e: {  	s0 =	sadd.s32 @!p0 $0x100000, s0  }
0x14f: {  	[sflag:s0] =	ssyncadd.tile.s32 @!p0 $0x1;
	_ =	shalt  }
.Lfunc_end2:
_tile_overlayer_lowered:
.L_overlay_start_2:
0x150: {  	(tag) =	ssettag $0x2  }
0x151: {  	s0 =	rddreg [dreg:$0x0];
	s2 =	stileid.u32  }
0x152: {  	s1 =	rddreg [dreg:$0x1];
	p0 =	sne.s32 s2, $0x0  }
0x153: {  	s3 =	rddreg [dreg:$0x2];
	[bflag:$0x3] =	sbarrier.arrive $0xFFFF;
	s2 =	simm.s32 @!p0 $0x1C01  }
0x154: {  	[timem:s3], [sflag:s2] =	dma.local @!p0 [hbm:s0], s1  }
0x155: {  	s0 =	simm.s32 @!p0 $0x1  }
0x156: {  	_ =	swait.ge @!p0 [sflag:s0], s1  }
0x157: {  	s1 =	ssub.s32 @!p0 $0x0, s1;
	[sflag:s0] =	ssyncset.done @!p0 $0x0  }
0x158: {  	[sflag:s0] =	ssyncadd.s32 @!p0 s1  }
0x159: {  	[bflag:$0x3] =	sbarrier.arrive $0xFFFF  }
0x15a: {  	_ =	shalt  }

</sc_bundles>
